<compile_context>
chip_gen: v7x
topology: tpu7x:2x2x1
jax: 0.10.2.dev20260603
libtpu: 0.0.44.dev20260713+nightly
codegen_flags: <defaults>
</compile_context>

<pallas_src>
import functools

import jax
import jax.numpy as jnp
from jax import lax
from jax.experimental import pallas as pl
from jax.experimental.pallas import tpu as pltpu
from jax.experimental.pallas import tpu_sc as plsc

VOCAB = 1000000
EMBED = 32
NUM_CORES = 2
NUM_SUBCORES = 16
NUM_WORKERS = NUM_CORES * NUM_SUBCORES
L = 16
BB = 128
TQ = 4


@functools.partial(jax.jit, static_argnums=(1, 2))
def _transpose_tokens(tok, n_pos, n_batch):
    mesh = plsc.VectorSubcoreMesh(core_axis_name="c", subcore_axis_name="s")

    @functools.partial(
        pl.kernel,
        mesh=mesh,
        out_type=jax.ShapeDtypeStruct((NUM_WORKERS, n_pos // 8, 8, BB),
                                      jnp.int32),
        scratch_types=[
            pltpu.VMEM((BB, n_pos), jnp.int32),
            pltpu.VMEM((n_pos // 8, 8, BB), jnp.int32),
        ],
        compiler_params=pltpu.CompilerParams(
            use_tc_tiling_on_sc=True, needs_layout_passes=False),
    )
    def k(tok_hbm, out_hbm, slab, tbuf):
        wid = lax.axis_index("s") * NUM_CORES + lax.axis_index("c")
        b0 = wid * BB
        iot = lax.iota(jnp.int32, L)
        bvecs = [iot + L * j for j in range(BB // L)]
        pltpu.sync_copy(tok_hbm.at[pl.ds(b0, BB), :], slab)

        def slab_body(i, c):
            vs = []
            for jj in range(2 * BB // L):
                tvec = jnp.full((L,), 0, jnp.int32) + (2 * i + jj // 8)
                vs.append(plsc.load_gather(slab, [bvecs[jj % 8], tvec]))
            for jj in range(2 * BB // L):
                t = 2 * i + jj // 8
                tbuf[t // 8, t % 8, pl.ds((jj % 8) * L, L)] = vs[jj]
            return c
        lax.fori_loop(0, n_pos // 2, slab_body, 0)
        pltpu.sync_copy(tbuf, out_hbm.at[wid])

    return k(tok)


@functools.partial(jax.jit, static_argnums=(1,))
def _detile_table(tab_t, vocab):
    mesh = plsc.VectorSubcoreMesh(core_axis_name="c", subcore_axis_name="s")
    n_full = vocab // BB
    tail = vocab - n_full * BB
    per_w = n_full // NUM_WORKERS + 1

    @functools.partial(
        pl.kernel,
        mesh=mesh,
        out_type=jax.ShapeDtypeStruct((vocab // 4, BB), jnp.float32),
        scratch_types=[pltpu.VMEM((EMBED, BB), jnp.float32)] * 2
          + [pltpu.VMEM((EMBED, BB), jnp.float32)] * 2
          + [pltpu.SemaphoreType.DMA] * 4,
        compiler_params=pltpu.CompilerParams(
            use_tc_tiling_on_sc=True, needs_layout_passes=False),
    )
    def k(tab_hbm, tail_hbm, out_hbm, a0, a1, b0_, b1_, si0, si1, so0, so1):
        av = (a0, a1)
        bv = (b0_, b1_)
        si = (si0, si1)
        so = (so0, so1)
        wid = lax.axis_index("s") * NUM_CORES + lax.axis_index("c")
        iot = lax.iota(jnp.int32, L)
        perms = [(iot + d) & 15 for d in range(L)]
        rowb = [[((iot * EMBED + eh * L + perms[d]) // BB)
                 for d in range(L)] for eh in range(2)]
        colb = [[((iot * EMBED + eh * L + perms[d]) % BB)
                 for d in range(L)] for eh in range(2)]

        def chunk_of(i):
            return wid + NUM_WORKERS * i

        def in_start(kc, rb):
            pltpu.async_copy(tab_hbm.at[:, pl.ds(kc * BB, BB)], av[rb],
                             si[rb])

        def in_wait(kc, rb):
            pltpu.make_async_copy(tab_hbm.at[:, pl.ds(kc * BB, BB)], av[rb],
                                  si[rb]).wait()

        def out_start(kc, rb):
            pltpu.async_copy(bv[rb], out_hbm.at[pl.ds(kc * EMBED, EMBED), :],
                             so[rb])

        def out_wait(kc, rb):
            pltpu.make_async_copy(bv[rb],
                                  out_hbm.at[pl.ds(kc * EMBED, EMBED), :],
                                  so[rb]).wait()

        def transpose(rb, n_g):
            def g_body(g, c):
                vl = iot + L * g
                for eh in range(2):
                    vs = []
                    for d in range(L):
                        vs.append(plsc.load_gather(
                            av[rb], [perms[d] + eh * L, vl]))
                    for d in range(L):
                        plsc.store_scatter(
                            bv[rb], [rowb[eh][d] + g * (L * EMBED // BB),
                                     colb[eh][d]], vs[d])
                return c
            lax.fori_loop(0, n_g, g_body, 0)

        @pl.when(chunk_of(0) < n_full)
        def _():
            in_start(chunk_of(0), 0)
        @pl.when(chunk_of(1) < n_full)
        def _():
            in_start(chunk_of(1), 1)

        def body(ii, carry):
            for rb in range(2):
                i = 2 * ii + rb
                kc = chunk_of(i)
                @pl.when(kc < n_full)
                def _():
                    in_wait(kc, rb)
                    @pl.when(i >= 2)
                    def _():
                        out_wait(chunk_of(i - 2), rb)
                    transpose(rb, BB // L)
                    out_start(kc, rb)
                    @pl.when(chunk_of(i + 2) < n_full)
                    def _():
                        in_start(chunk_of(i + 2), rb)
            return carry

        lax.fori_loop(0, per_w // 2 + 1, body, 0)
        for i in range(per_w - 3, per_w):
            @pl.when((chunk_of(i) < n_full) & (chunk_of(i + 2) >= n_full))
            def _():
                out_wait(chunk_of(i), i % 2)

        if tail:
            @pl.when(wid == 0)
            def _():
                pltpu.sync_copy(tail_hbm, av[0])
                transpose(0, tail // L)
                pltpu.sync_copy(
                    bv[0].at[pl.ds(0, tail * EMBED // BB)],
                    out_hbm.at[pl.ds(n_full * EMBED, tail * EMBED // BB), :])

    tail_arr = jnp.pad(tab_t[:, n_full * BB:], ((0, 0), (0, BB - tail)))
    return k(tab_t, tail_arr)


@functools.partial(jax.jit, static_argnums=(2, 3))
def _gather_embed(idxt, table, n_pos, n_batch):
    mesh = plsc.VectorSubcoreMesh(core_axis_name="c", subcore_axis_name="s")
    n_units = n_pos // TQ
    assert n_units % 2 == 0 and n_batch // BB == NUM_WORKERS
    GB = TQ * BB

    @functools.partial(
        pl.kernel,
        mesh=mesh,
        out_type=jax.ShapeDtypeStruct((n_pos, EMBED // 8, n_batch * 8),
                                      jnp.float32),
        scratch_types=[
            pltpu.VMEM((n_pos // 8, 8, BB), jnp.int32),
            pltpu.VMEM((n_units, GB), jnp.int32),
        ] + [pltpu.VMEM((GB, EMBED), jnp.float32)] * 2
          + [pltpu.VMEM((TQ * EMBED * BB,), jnp.float32)] * 2
          + [pltpu.SemaphoreType.DMA] * 4,
        compiler_params=pltpu.CompilerParams(
            use_tc_tiling_on_sc=False, needs_layout_passes=False),
    )
    def k(idxt_hbm, table_hbm, out_hbm, idx3, idxs, r0, r1, t0, t1,
          sg0, sg1, so0, so1):
        rows = (r0, r1)
        tbuf = (t0, t1)
        sg = (sg0, sg1)
        so = (so0, so1)
        wid = lax.axis_index("s") * NUM_CORES + lax.axis_index("c")
        b0 = wid * BB

        iot = lax.iota(jnp.int32, L)
        pltpu.sync_copy(idxt_hbm.at[wid], idx3)

        def pack_body(u, c):
            for j in range(GB // L):
                t = u * TQ + j // 8
                idxs[u, pl.ds(j * L, L)] = \
                    idx3[t // 8, t % 8, pl.ds((j % 8) * L, L)]
            return c
        lax.fori_loop(0, n_units, pack_body, 0)

        def gather_start(u, rb):
            pltpu.async_copy(table_hbm.at[idxs.at[u]], rows[rb], sg[rb])

        def gather_wait(u, rb):
            pltpu.make_async_copy(table_hbm.at[idxs.at[u]],
                                  rows[rb], sg[rb]).wait()

        def wb_start(u, rb):
            for tl in range(TQ):
                for e8 in range(EMBED // 8):
                    pltpu.async_copy(
                        tbuf[rb].at[pl.ds((tl * 4 + e8) * 8 * BB, 8 * BB)],
                        out_hbm.at[u * TQ + tl, e8, pl.ds(b0 * 8, 8 * BB)],
                        so[rb])

        def wb_wait(u, rb):
            for tl in range(TQ):
                for e8 in range(EMBED // 8):
                    pltpu.make_async_copy(
                        tbuf[rb].at[pl.ds((tl * 4 + e8) * 8 * BB, 8 * BB)],
                        out_hbm.at[u * TQ + tl, e8, pl.ds(b0 * 8, 8 * BB)],
                        so[rb]).wait()

        perms = [(iot + d) & 15 for d in range(L)]
        fdst = [(perms[d] // 8) * 1024 + (perms[d] % 8) * BB + iot
                for d in range(L)]

        def transpose(rb):
            tb = tbuf[rb]
            def jb_body(jb, c):
                bv = iot + jb * L
                for eh in range(2):
                    sb_dst = ((jb // 8) * (4 * 8 * BB) + (eh * 2) * (8 * BB)
                              + (jb % 8) * L)
                    vs = []
                    for d in range(L):
                        vs.append(plsc.load_gather(
                            rows[rb], [bv, perms[d] + eh * L]))
                    for d in range(L):
                        plsc.store_scatter(tb, [fdst[d] + sb_dst], vs[d])
                return c
            lax.fori_loop(0, GB // L, jb_body, 0)

        gather_start(0, 0)

        def body(kk, carry):
            for rb in range(2):
                i = 2 * kk + rb
                if rb == 0:
                    gather_start(i + 1, 1)
                else:
                    @pl.when(kk < n_units // 2 - 1)
                    def _():
                        gather_start(i + 1, 0)
                gather_wait(i, rb)
                @pl.when(kk > 0)
                def _():
                    wb_wait(i - 2, rb)
                transpose(rb)
                wb_start(i, rb)
            return carry

        lax.fori_loop(0, n_units // 2, body, 0)
        wb_wait(n_units - 2, 0)
        wb_wait(n_units - 1, 1)

    return k(idxt, table)


def kernel(tokens, embedding_weight):
    n_batch, n_pos = tokens.shape
    idxt = _transpose_tokens(tokens, n_pos, n_batch)
    tab_lin = _detile_table(embedding_weight.T, VOCAB).reshape(VOCAB, EMBED)
    out3 = _gather_embed(idxt, tab_lin, n_pos, n_batch)
    out = (out3.reshape(n_pos, EMBED // 8, n_batch // 128, 8, 128)
           .transpose(2, 4, 0, 1, 3)
           .reshape(n_batch, n_pos, EMBED))
    return out

# --- scband reference (transcript-rebuilt; emitter-appended) ---
"""Pipeline reference for scband-token-embedding-16509854285897 (READ-ONLY COPY).

The authoritative reference and input builder live on the scoring server;
editing this copy changes nothing except your own understanding.
"""

import jax, jax.numpy as jnp
import numpy as np

VOCAB_SIZE = 1000000
EMBED_SIZE = 32
BATCH = 4096
HIST_LEN = 200


def setup_inputs(seed: int = 0) -> dict:
    key = jax.random.key(seed)
    k_tok, k_emb = jax.random.split(key)
    tokens = jax.random.randint(k_tok, (BATCH, HIST_LEN), 0, VOCAB_SIZE, dtype=jnp.int64 if jax.config.jax_enable_x64 else jnp.int32)
    embedding_weight = jax.random.normal(k_emb, (VOCAB_SIZE, EMBED_SIZE), dtype=jnp.float32)
    return {"tokens": tokens, "embedding_weight": embedding_weight}


def reference(tokens, embedding_weight):
    # nn.Embedding lookup: table[idx]
    return jnp.take(embedding_weight, tokens, axis=0)

if __name__ == "__main__":
    import jax
    _d = setup_inputs()
    print(jax.jit(kernel)(*tuple(_d.values())))

</pallas_src>

<mosaic_0001>
#map = affine_map<(d0, d1) -> (0, 0)>
#map1 = affine_map<(d0, d1) -> (0, 0, 0, 0)>
module attributes {stable_mosaic.version = 14 : i64} {
  func.func @k(%arg0: i32, %arg1: i32, %arg2: memref<4096x200xi32, #tpu.memory_space<hbm>>, %arg3: memref<32x25x8x128xi32, #tpu.memory_space<hbm>>, %arg4: memref<128x200xi32, #tpu.memory_space<vmem>>, %arg5: memref<25x8x128xi32, #tpu.memory_space<vmem>>) attributes {dimension_semantics = [#tpu.dimension_semantics<core_parallel>, #tpu.dimension_semantics<subcore_parallel>], iteration_bounds = array<i64: 2, 16>, scalar_prefetch = 0 : i64, scratch_operands = 2 : i64, tpu.core_type = #tpu.core_type<sc_vector_subcore>, window_params = [{transform_indices = #map}, {transform_indices = #map1}]} {
    %mul3A = arith.constant 2 : i32
    %mul3A_0 = arith.muli %arg1, %mul3A : i32
    %add3A = arith.addi %mul3A_0, %arg0 : i32
    %mul3A_1 = arith.constant 128 : i32
    %mul3A_2 = arith.muli %add3A, %mul3A_1 : i32
    %iota3A = tpu.iota {dimensions = array<i32: 0>} : vector<16xi32>
    %add3A_3 = arith.constant 0 : i32
    %add3A_4 = vector.broadcast %add3A_3 : i32 to vector<16xi32>
    %add3A_5 = arith.addi %iota3A, %add3A_4 : vector<16xi32>
    %add3A_6 = arith.constant 16 : i32
    %add3A_7 = vector.broadcast %add3A_6 : i32 to vector<16xi32>
    %add3A_8 = arith.addi %iota3A, %add3A_7 : vector<16xi32>
    %add3A_9 = arith.constant 32 : i32
    %add3A_10 = vector.broadcast %add3A_9 : i32 to vector<16xi32>
    %add3A_11 = arith.addi %iota3A, %add3A_10 : vector<16xi32>
    %add3A_12 = arith.constant 48 : i32
    %add3A_13 = vector.broadcast %add3A_12 : i32 to vector<16xi32>
    %add3A_14 = arith.addi %iota3A, %add3A_13 : vector<16xi32>
    %add3A_15 = arith.constant 64 : i32
    %add3A_16 = vector.broadcast %add3A_15 : i32 to vector<16xi32>
    %add3A_17 = arith.addi %iota3A, %add3A_16 : vector<16xi32>
    %add3A_18 = arith.constant 80 : i32
    %add3A_19 = vector.broadcast %add3A_18 : i32 to vector<16xi32>
    %add3A_20 = arith.addi %iota3A, %add3A_19 : vector<16xi32>
    %add3A_21 = arith.constant 96 : i32
    %add3A_22 = vector.broadcast %add3A_21 : i32 to vector<16xi32>
    %add3A_23 = arith.addi %iota3A, %add3A_22 : vector<16xi32>
    %add3A_24 = arith.constant 112 : i32
    %add3A_25 = vector.broadcast %add3A_24 : i32 to vector<16xi32>
    %add3A_26 = arith.addi %iota3A, %add3A_25 : vector<16xi32>
    "tpu.region"() ({
      %run_scoped3A = tpu.sem_alloc : memref<!tpu.dma_semaphore, #tpu.memory_space<semaphore_mem>>
      %dma_start3A = arith.constant 0 : i32
      %dma_start3A_32 = tpu.memref_slice %arg2[%mul3A_2, %dma_start3A] : memref<4096x200xi32, #tpu.memory_space<hbm>> -> memref<128x200xi32, #tpu.memory_space<hbm>>
      %dma_start3A_33 = arith.constant 0 : i32
      %dma_start3A_34 = tpu.memref_slice %arg2[%mul3A_2, %dma_start3A_33] : memref<4096x200xi32, #tpu.memory_space<hbm>> -> memref<128x200xi32, #tpu.memory_space<hbm>>
      tpu.enqueue_dma source(%dma_start3A_34 : memref<128x200xi32, #tpu.memory_space<hbm>>) target(%arg4 : memref<128x200xi32, #tpu.memory_space<vmem>>) target_semaphore(%run_scoped3A : memref<!tpu.dma_semaphore, #tpu.memory_space<semaphore_mem>>)
      %dma_wait3A = arith.constant 0 : i32
      %dma_wait3A_35 = tpu.memref_slice %arg2[%mul3A_2, %dma_wait3A] : memref<4096x200xi32, #tpu.memory_space<hbm>> -> memref<128x200xi32, #tpu.memory_space<hbm>>
      %dma_wait3A_36 = arith.constant 0 : i32
      %dma_wait3A_37 = tpu.memref_slice %arg2[%mul3A_2, %dma_wait3A_36] : memref<4096x200xi32, #tpu.memory_space<hbm>> -> memref<128x200xi32, #tpu.memory_space<hbm>>
      tpu.wait_dma2 semaphore(%run_scoped3A : memref<!tpu.dma_semaphore, #tpu.memory_space<semaphore_mem>>) src(%dma_wait3A_37 : memref<128x200xi32, #tpu.memory_space<hbm>>) dst(%arg4 : memref<128x200xi32, #tpu.memory_space<vmem>>)
      tpu.yield
    }) : () -> ()
    %scan3A = arith.constant 0 : i32
    %scan3A_27 = arith.constant 0 : i32
    %scan3A_28 = arith.constant 100 : i32
    %scan3A_29 = arith.addi %scan3A_27, %scan3A_28 : i32
    %scan3A_30 = arith.constant 1 : i32
    scf.for %scan3A_32 = %scan3A_27 to %scan3A_29 step %scan3A_30  : i32 {
      %broadcast_in_dim3A = arith.constant 0 : i32
      %broadcast_in_dim3A_33 = vector.broadcast %broadcast_in_dim3A : i32 to vector<16xi32>
      %mul3A_34 = arith.constant 2 : i32
      %mul3A_35 = arith.muli %mul3A_34, %scan3A_32 : i32
      %add3A_36 = arith.constant 0 : i32
      %add3A_37 = arith.addi %mul3A_35, %add3A_36 : i32
      %add3A_38 = vector.broadcast %add3A_37 : i32 to vector<16xi32>
      %add3A_39 = arith.addi %broadcast_in_dim3A_33, %add3A_38 : vector<16xi32>
      %gather3A = tpu.vector_load_idx %arg4[%add3A_5, %add3A_39] : memref<128x200xi32, #tpu.memory_space<vmem>>[vector<16xi32>, vector<16xi32>], vector<16xi32>,
      %broadcast_in_dim3A_40 = arith.constant 0 : i32
      %broadcast_in_dim3A_41 = vector.broadcast %broadcast_in_dim3A_40 : i32 to vector<16xi32>
      %mul3A_42 = arith.constant 2 : i32
      %mul3A_43 = arith.muli %mul3A_42, %scan3A_32 : i32
      %add3A_44 = arith.constant 0 : i32
      %add3A_45 = arith.addi %mul3A_43, %add3A_44 : i32
      %add3A_46 = vector.broadcast %add3A_45 : i32 to vector<16xi32>
      %add3A_47 = arith.addi %broadcast_in_dim3A_41, %add3A_46 : vector<16xi32>
      %gather3A_48 = tpu.vector_load_idx %arg4[%add3A_8, %add3A_47] : memref<128x200xi32, #tpu.memory_space<vmem>>[vector<16xi32>, vector<16xi32>], vector<16xi32>,
      %broadcast_in_dim3A_49 = arith.constant 0 : i32
      %broadcast_in_dim3A_50 = vector.broadcast %broadcast_in_dim3A_49 : i32 to vector<16xi32>
      %mul3A_51 = arith.constant 2 : i32
      %mul3A_52 = arith.muli %mul3A_51, %scan3A_32 : i32
      %add3A_53 = arith.constant 0 : i32
      %add3A_54 = arith.addi %mul3A_52, %add3A_53 : i32
      %add3A_55 = vector.broadcast %add3A_54 : i32 to vector<16xi32>
      %add3A_56 = arith.addi %broadcast_in_dim3A_50, %add3A_55 : vector<16xi32>
      %gather3A_57 = tpu.vector_load_idx %arg4[%add3A_11, %add3A_56] : memref<128x200xi32, #tpu.memory_space<vmem>>[vector<16xi32>, vector<16xi32>], vector<16xi32>,
      %broadcast_in_dim3A_58 = arith.constant 0 : i32
      %broadcast_in_dim3A_59 = vector.broadcast %broadcast_in_dim3A_58 : i32 to vector<16xi32>
      %mul3A_60 = arith.constant 2 : i32
      %mul3A_61 = arith.muli %mul3A_60, %scan3A_32 : i32
      %add3A_62 = arith.constant 0 : i32
      %add3A_63 = arith.addi %mul3A_61, %add3A_62 : i32
      %add3A_64 = vector.broadcast %add3A_63 : i32 to vector<16xi32>
      %add3A_65 = arith.addi %broadcast_in_dim3A_59, %add3A_64 : vector<16xi32>
      %gather3A_66 = tpu.vector_load_idx %arg4[%add3A_14, %add3A_65] : memref<128x200xi32, #tpu.memory_space<vmem>>[vector<16xi32>, vector<16xi32>], vector<16xi32>,
      %broadcast_in_dim3A_67 = arith.constant 0 : i32
      %broadcast_in_dim3A_68 = vector.broadcast %broadcast_in_dim3A_67 : i32 to vector<16xi32>
      %mul3A_69 = arith.constant 2 : i32
      %mul3A_70 = arith.muli %mul3A_69, %scan3A_32 : i32
      %add3A_71 = arith.constant 0 : i32
      %add3A_72 = arith.addi %mul3A_70, %add3A_71 : i32
      %add3A_73 = vector.broadcast %add3A_72 : i32 to vector<16xi32>
      %add3A_74 = arith.addi %broadcast_in_dim3A_68, %add3A_73 : vector<16xi32>
      %gather3A_75 = tpu.vector_load_idx %arg4[%add3A_17, %add3A_74] : memref<128x200xi32, #tpu.memory_space<vmem>>[vector<16xi32>, vector<16xi32>], vector<16xi32>,
      %broadcast_in_dim3A_76 = arith.constant 0 : i32
      %broadcast_in_dim3A_77 = vector.broadcast %broadcast_in_dim3A_76 : i32 to vector<16xi32>
      %mul3A_78 = arith.constant 2 : i32
      %mul3A_79 = arith.muli %mul3A_78, %scan3A_32 : i32
      %add3A_80 = arith.constant 0 : i32
      %add3A_81 = arith.addi %mul3A_79, %add3A_80 : i32
      %add3A_82 = vector.broadcast %add3A_81 : i32 to vector<16xi32>
      %add3A_83 = arith.addi %broadcast_in_dim3A_77, %add3A_82 : vector<16xi32>
      %gather3A_84 = tpu.vector_load_idx %arg4[%add3A_20, %add3A_83] : memref<128x200xi32, #tpu.memory_space<vmem>>[vector<16xi32>, vector<16xi32>], vector<16xi32>,
      %broadcast_in_dim3A_85 = arith.constant 0 : i32
      %broadcast_in_dim3A_86 = vector.broadcast %broadcast_in_dim3A_85 : i32 to vector<16xi32>
      %mul3A_87 = arith.constant 2 : i32
      %mul3A_88 = arith.muli %mul3A_87, %scan3A_32 : i32
      %add3A_89 = arith.constant 0 : i32
      %add3A_90 = arith.addi %mul3A_88, %add3A_89 : i32
      %add3A_91 = vector.broadcast %add3A_90 : i32 to vector<16xi32>
      %add3A_92 = arith.addi %broadcast_in_dim3A_86, %add3A_91 : vector<16xi32>
      %gather3A_93 = tpu.vector_load_idx %arg4[%add3A_23, %add3A_92] : memref<128x200xi32, #tpu.memory_space<vmem>>[vector<16xi32>, vector<16xi32>], vector<16xi32>,
      %broadcast_in_dim3A_94 = arith.constant 0 : i32
      %broadcast_in_dim3A_95 = vector.broadcast %broadcast_in_dim3A_94 : i32 to vector<16xi32>
      %mul3A_96 = arith.constant 2 : i32
      %mul3A_97 = arith.muli %mul3A_96, %scan3A_32 : i32
      %add3A_98 = arith.constant 0 : i32
      %add3A_99 = arith.addi %mul3A_97, %add3A_98 : i32
      %add3A_100 = vector.broadcast %add3A_99 : i32 to vector<16xi32>
      %add3A_101 = arith.addi %broadcast_in_dim3A_95, %add3A_100 : vector<16xi32>
      %gather3A_102 = tpu.vector_load_idx %arg4[%add3A_26, %add3A_101] : memref<128x200xi32, #tpu.memory_space<vmem>>[vector<16xi32>, vector<16xi32>], vector<16xi32>,
      %broadcast_in_dim3A_103 = arith.constant 0 : i32
      %broadcast_in_dim3A_104 = vector.broadcast %broadcast_in_dim3A_103 : i32 to vector<16xi32>
      %mul3A_105 = arith.constant 2 : i32
      %mul3A_106 = arith.muli %mul3A_105, %scan3A_32 : i32
      %add3A_107 = arith.constant 1 : i32
      %add3A_108 = arith.addi %mul3A_106, %add3A_107 : i32
      %add3A_109 = vector.broadcast %add3A_108 : i32 to vector<16xi32>
      %add3A_110 = arith.addi %broadcast_in_dim3A_104, %add3A_109 : vector<16xi32>
      %gather3A_111 = tpu.vector_load_idx %arg4[%add3A_5, %add3A_110] : memref<128x200xi32, #tpu.memory_space<vmem>>[vector<16xi32>, vector<16xi32>], vector<16xi32>,
      %broadcast_in_dim3A_112 = arith.constant 0 : i32
      %broadcast_in_dim3A_113 = vector.broadcast %broadcast_in_dim3A_112 : i32 to vector<16xi32>
      %mul3A_114 = arith.constant 2 : i32
      %mul3A_115 = arith.muli %mul3A_114, %scan3A_32 : i32
      %add3A_116 = arith.constant 1 : i32
      %add3A_117 = arith.addi %mul3A_115, %add3A_116 : i32
      %add3A_118 = vector.broadcast %add3A_117 : i32 to vector<16xi32>
      %add3A_119 = arith.addi %broadcast_in_dim3A_113, %add3A_118 : vector<16xi32>
      %gather3A_120 = tpu.vector_load_idx %arg4[%add3A_8, %add3A_119] : memref<128x200xi32, #tpu.memory_space<vmem>>[vector<16xi32>, vector<16xi32>], vector<16xi32>,
      %broadcast_in_dim3A_121 = arith.constant 0 : i32
      %broadcast_in_dim3A_122 = vector.broadcast %broadcast_in_dim3A_121 : i32 to vector<16xi32>
      %mul3A_123 = arith.constant 2 : i32
      %mul3A_124 = arith.muli %mul3A_123, %scan3A_32 : i32
      %add3A_125 = arith.constant 1 : i32
      %add3A_126 = arith.addi %mul3A_124, %add3A_125 : i32
      %add3A_127 = vector.broadcast %add3A_126 : i32 to vector<16xi32>
      %add3A_128 = arith.addi %broadcast_in_dim3A_122, %add3A_127 : vector<16xi32>
      %gather3A_129 = tpu.vector_load_idx %arg4[%add3A_11, %add3A_128] : memref<128x200xi32, #tpu.memory_space<vmem>>[vector<16xi32>, vector<16xi32>], vector<16xi32>,
      %broadcast_in_dim3A_130 = arith.constant 0 : i32
      %broadcast_in_dim3A_131 = vector.broadcast %broadcast_in_dim3A_130 : i32 to vector<16xi32>
      %mul3A_132 = arith.constant 2 : i32
      %mul3A_133 = arith.muli %mul3A_132, %scan3A_32 : i32
      %add3A_134 = arith.constant 1 : i32
      %add3A_135 = arith.addi %mul3A_133, %add3A_134 : i32
      %add3A_136 = vector.broadcast %add3A_135 : i32 to vector<16xi32>
      %add3A_137 = arith.addi %broadcast_in_dim3A_131, %add3A_136 : vector<16xi32>
      %gather3A_138 = tpu.vector_load_idx %arg4[%add3A_14, %add3A_137] : memref<128x200xi32, #tpu.memory_space<vmem>>[vector<16xi32>, vector<16xi32>], vector<16xi32>,
      %broadcast_in_dim3A_139 = arith.constant 0 : i32
      %broadcast_in_dim3A_140 = vector.broadcast %broadcast_in_dim3A_139 : i32 to vector<16xi32>
      %mul3A_141 = arith.constant 2 : i32
      %mul3A_142 = arith.muli %mul3A_141, %scan3A_32 : i32
      %add3A_143 = arith.constant 1 : i32
      %add3A_144 = arith.addi %mul3A_142, %add3A_143 : i32
      %add3A_145 = vector.broadcast %add3A_144 : i32 to vector<16xi32>
      %add3A_146 = arith.addi %broadcast_in_dim3A_140, %add3A_145 : vector<16xi32>
      %gather3A_147 = tpu.vector_load_idx %arg4[%add3A_17, %add3A_146] : memref<128x200xi32, #tpu.memory_space<vmem>>[vector<16xi32>, vector<16xi32>], vector<16xi32>,
      %broadcast_in_dim3A_148 = arith.constant 0 : i32
      %broadcast_in_dim3A_149 = vector.broadcast %broadcast_in_dim3A_148 : i32 to vector<16xi32>
      %mul3A_150 = arith.constant 2 : i32
      %mul3A_151 = arith.muli %mul3A_150, %scan3A_32 : i32
      %add3A_152 = arith.constant 1 : i32
      %add3A_153 = arith.addi %mul3A_151, %add3A_152 : i32
      %add3A_154 = vector.broadcast %add3A_153 : i32 to vector<16xi32>
      %add3A_155 = arith.addi %broadcast_in_dim3A_149, %add3A_154 : vector<16xi32>
      %gather3A_156 = tpu.vector_load_idx %arg4[%add3A_20, %add3A_155] : memref<128x200xi32, #tpu.memory_space<vmem>>[vector<16xi32>, vector<16xi32>], vector<16xi32>,
      %broadcast_in_dim3A_157 = arith.constant 0 : i32
      %broadcast_in_dim3A_158 = vector.broadcast %broadcast_in_dim3A_157 : i32 to vector<16xi32>
      %mul3A_159 = arith.constant 2 : i32
      %mul3A_160 = arith.muli %mul3A_159, %scan3A_32 : i32
      %add3A_161 = arith.constant 1 : i32
      %add3A_162 = arith.addi %mul3A_160, %add3A_161 : i32
      %add3A_163 = vector.broadcast %add3A_162 : i32 to vector<16xi32>
      %add3A_164 = arith.addi %broadcast_in_dim3A_158, %add3A_163 : vector<16xi32>
      %gather3A_165 = tpu.vector_load_idx %arg4[%add3A_23, %add3A_164] : memref<128x200xi32, #tpu.memory_space<vmem>>[vector<16xi32>, vector<16xi32>], vector<16xi32>,
      %broadcast_in_dim3A_166 = arith.constant 0 : i32
      %broadcast_in_dim3A_167 = vector.broadcast %broadcast_in_dim3A_166 : i32 to vector<16xi32>
      %mul3A_168 = arith.constant 2 : i32
      %mul3A_169 = arith.muli %mul3A_168, %scan3A_32 : i32
      %add3A_170 = arith.constant 1 : i32
      %add3A_171 = arith.addi %mul3A_169, %add3A_170 : i32
      %add3A_172 = vector.broadcast %add3A_171 : i32 to vector<16xi32>
      %add3A_173 = arith.addi %broadcast_in_dim3A_167, %add3A_172 : vector<16xi32>
      %gather3A_174 = tpu.vector_load_idx %arg4[%add3A_26, %add3A_173] : memref<128x200xi32, #tpu.memory_space<vmem>>[vector<16xi32>, vector<16xi32>], vector<16xi32>,
      %mul3A_175 = arith.constant 2 : i32
      %mul3A_176 = arith.muli %mul3A_175, %scan3A_32 : i32
      %add3A_177 = arith.constant 0 : i32
      %add3A_178 = arith.addi %mul3A_176, %add3A_177 : i32
      %jit3A = arith.constant 8 : i32
      %div3A = arith.divsi %add3A_178, %jit3A : i32
      %sign3A = arith.constant 0 : i32
      %sign3A_179 = arith.cmpi sgt, %add3A_178, %sign3A : i32
      %sign3A_180 = arith.extui %sign3A_179 : i1 to i32
      %sign3A_181 = arith.constant 0 : i32
      %sign3A_182 = arith.cmpi slt, %add3A_178, %sign3A_181 : i32
      %sign3A_183 = arith.extui %sign3A_182 : i1 to i32
      %sign3A_184 = arith.subi %sign3A_180, %sign3A_183 : i32
      %sign3A_185 = arith.constant 0 : i32
      %sign3A_186 = arith.cmpi sgt, %jit3A, %sign3A_185 : i32
      %sign3A_187 = arith.extui %sign3A_186 : i1 to i32
      %sign3A_188 = arith.constant 0 : i32
      %sign3A_189 = arith.cmpi slt, %jit3A, %sign3A_188 : i32
      %sign3A_190 = arith.extui %sign3A_189 : i1 to i32
      %sign3A_191 = arith.subi %sign3A_187, %sign3A_190 : i32
      %ne3A = arith.cmpi ne, %sign3A_184, %sign3A_191 : i32
      %rem3A = arith.remsi %add3A_178, %jit3A : i32
      %ne3A_192 = arith.constant 0 : i32
      %ne3A_193 = arith.cmpi ne, %rem3A, %ne3A_192 : i32
      %and3A = arith.andi %ne3A, %ne3A_193 : i1
      %sub3A = arith.constant 1 : i32
      %sub3A_194 = arith.subi %div3A, %sub3A : i32
      %select_n3A = arith.select %and3A, %sub3A_194, %div3A : i32
      %jit3A_195 = arith.constant 8 : i32
      %eq3A = arith.constant 0 : i32
      %eq3A_196 = arith.cmpi eq, %jit3A_195, %eq3A : i32
      %jit3A_197 = arith.constant 1 : i32
      %select_n3A_198 = arith.select %eq3A_196, %jit3A_197, %jit3A_195 : i32
      %rem3A_199 = arith.remsi %add3A_178, %select_n3A_198 : i32
      %ne3A_200 = arith.constant 0 : i32
      %ne3A_201 = arith.cmpi ne, %rem3A_199, %ne3A_200 : i32
      %lt3A = arith.constant 0 : i32
      %lt3A_202 = arith.cmpi slt, %rem3A_199, %lt3A : i32
      %lt3A_203 = arith.constant 0 : i32
      %lt3A_204 = arith.cmpi slt, %select_n3A_198, %lt3A_203 : i32
      %ne3A_205 = arith.xori %lt3A_202, %lt3A_204 : i1
      %and3A_206 = arith.andi %ne3A_205, %ne3A_201 : i1
      %add3A_207 = arith.addi %rem3A_199, %select_n3A_198 : i32
      %select_n3A_208 = arith.select %and3A_206, %add3A_207, %rem3A_199 : i32
      %swap3A = arith.index_cast %select_n3A : i32 to index
      %swap3A_209 = arith.index_cast %select_n3A_208 : i32 to index
      %swap3A_210 = arith.constant 0 : index
      %swap3A_211 = tpu.vector_load %arg5[%swap3A, %swap3A_209, %swap3A_210] {strides = array<i32>} : memref<25x8x128xi32, #tpu.memory_space<vmem>>, vector<16xi32>,
      tpu.vector_store %arg5[%swap3A, %swap3A_209, %swap3A_210], %gather3A {strides = array<i32>} : memref<25x8x128xi32, #tpu.memory_space<vmem>>, vector<16xi32>,
      %mul3A_212 = arith.constant 2 : i32
      %mul3A_213 = arith.muli %mul3A_212, %scan3A_32 : i32
      %add3A_214 = arith.constant 0 : i32
      %add3A_215 = arith.addi %mul3A_213, %add3A_214 : i32
      %jit3A_216 = arith.constant 8 : i32
      %div3A_217 = arith.divsi %add3A_215, %jit3A_216 : i32
      %sign3A_218 = arith.constant 0 : i32
      %sign3A_219 = arith.cmpi sgt, %add3A_215, %sign3A_218 : i32
      %sign3A_220 = arith.extui %sign3A_219 : i1 to i32
      %sign3A_221 = arith.constant 0 : i32
      %sign3A_222 = arith.cmpi slt, %add3A_215, %sign3A_221 : i32
      %sign3A_223 = arith.extui %sign3A_222 : i1 to i32
      %sign3A_224 = arith.subi %sign3A_220, %sign3A_223 : i32
      %sign3A_225 = arith.constant 0 : i32
      %sign3A_226 = arith.cmpi sgt, %jit3A_216, %sign3A_225 : i32
      %sign3A_227 = arith.extui %sign3A_226 : i1 to i32
      %sign3A_228 = arith.constant 0 : i32
      %sign3A_229 = arith.cmpi slt, %jit3A_216, %sign3A_228 : i32
      %sign3A_230 = arith.extui %sign3A_229 : i1 to i32
      %sign3A_231 = arith.subi %sign3A_227, %sign3A_230 : i32
      %ne3A_232 = arith.cmpi ne, %sign3A_224, %sign3A_231 : i32
      %rem3A_233 = arith.remsi %add3A_215, %jit3A_216 : i32
      %ne3A_234 = arith.constant 0 : i32
      %ne3A_235 = arith.cmpi ne, %rem3A_233, %ne3A_234 : i32
      %and3A_236 = arith.andi %ne3A_232, %ne3A_235 : i1
      %sub3A_237 = arith.constant 1 : i32
      %sub3A_238 = arith.subi %div3A_217, %sub3A_237 : i32
      %select_n3A_239 = arith.select %and3A_236, %sub3A_238, %div3A_217 : i32
      %jit3A_240 = arith.constant 8 : i32
      %eq3A_241 = arith.constant 0 : i32
      %eq3A_242 = arith.cmpi eq, %jit3A_240, %eq3A_241 : i32
      %jit3A_243 = arith.constant 1 : i32
      %select_n3A_244 = arith.select %eq3A_242, %jit3A_243, %jit3A_240 : i32
      %rem3A_245 = arith.remsi %add3A_215, %select_n3A_244 : i32
      %ne3A_246 = arith.constant 0 : i32
      %ne3A_247 = arith.cmpi ne, %rem3A_245, %ne3A_246 : i32
      %lt3A_248 = arith.constant 0 : i32
      %lt3A_249 = arith.cmpi slt, %rem3A_245, %lt3A_248 : i32
      %lt3A_250 = arith.constant 0 : i32
      %lt3A_251 = arith.cmpi slt, %select_n3A_244, %lt3A_250 : i32
      %ne3A_252 = arith.xori %lt3A_249, %lt3A_251 : i1
      %and3A_253 = arith.andi %ne3A_252, %ne3A_247 : i1
      %add3A_254 = arith.addi %rem3A_245, %select_n3A_244 : i32
      %select_n3A_255 = arith.select %and3A_253, %add3A_254, %rem3A_245 : i32
      %swap3A_256 = arith.index_cast %select_n3A_239 : i32 to index
      %swap3A_257 = arith.index_cast %select_n3A_255 : i32 to index
      %swap3A_258 = arith.constant 16 : index
      %swap3A_259 = tpu.vector_load %arg5[%swap3A_256, %swap3A_257, %swap3A_258] {strides = array<i32>} : memref<25x8x128xi32, #tpu.memory_space<vmem>>, vector<16xi32>,
      tpu.vector_store %arg5[%swap3A_256, %swap3A_257, %swap3A_258], %gather3A_48 {strides = array<i32>} : memref<25x8x128xi32, #tpu.memory_space<vmem>>, vector<16xi32>,
      %mul3A_260 = arith.constant 2 : i32
      %mul3A_261 = arith.muli %mul3A_260, %scan3A_32 : i32
      %add3A_262 = arith.constant 0 : i32
      %add3A_263 = arith.addi %mul3A_261, %add3A_262 : i32
      %jit3A_264 = arith.constant 8 : i32
      %div3A_265 = arith.divsi %add3A_263, %jit3A_264 : i32
      %sign3A_266 = arith.constant 0 : i32
      %sign3A_267 = arith.cmpi sgt, %add3A_263, %sign3A_266 : i32
      %sign3A_268 = arith.extui %sign3A_267 : i1 to i32
      %sign3A_269 = arith.constant 0 : i32
      %sign3A_270 = arith.cmpi slt, %add3A_263, %sign3A_269 : i32
      %sign3A_271 = arith.extui %sign3A_270 : i1 to i32
      %sign3A_272 = arith.subi %sign3A_268, %sign3A_271 : i32
      %sign3A_273 = arith.constant 0 : i32
      %sign3A_274 = arith.cmpi sgt, %jit3A_264, %sign3A_273 : i32
      %sign3A_275 = arith.extui %sign3A_274 : i1 to i32
      %sign3A_276 = arith.constant 0 : i32
      %sign3A_277 = arith.cmpi slt, %jit3A_264, %sign3A_276 : i32
      %sign3A_278 = arith.extui %sign3A_277 : i1 to i32
      %sign3A_279 = arith.subi %sign3A_275, %sign3A_278 : i32
      %ne3A_280 = arith.cmpi ne, %sign3A_272, %sign3A_279 : i32
      %rem3A_281 = arith.remsi %add3A_263, %jit3A_264 : i32
      %ne3A_282 = arith.constant 0 : i32
      %ne3A_283 = arith.cmpi ne, %rem3A_281, %ne3A_282 : i32
      %and3A_284 = arith.andi %ne3A_280, %ne3A_283 : i1
      %sub3A_285 = arith.constant 1 : i32
      %sub3A_286 = arith.subi %div3A_265, %sub3A_285 : i32
      %select_n3A_287 = arith.select %and3A_284, %sub3A_286, %div3A_265 : i32
      %jit3A_288 = arith.constant 8 : i32
      %eq3A_289 = arith.constant 0 : i32
      %eq3A_290 = arith.cmpi eq, %jit3A_288, %eq3A_289 : i32
      %jit3A_291 = arith.constant 1 : i32
      %select_n3A_292 = arith.select %eq3A_290, %jit3A_291, %jit3A_288 : i32
      %rem3A_293 = arith.remsi %add3A_263, %select_n3A_292 : i32
      %ne3A_294 = arith.constant 0 : i32
      %ne3A_295 = arith.cmpi ne, %rem3A_293, %ne3A_294 : i32
      %lt3A_296 = arith.constant 0 : i32
      %lt3A_297 = arith.cmpi slt, %rem3A_293, %lt3A_296 : i32
      %lt3A_298 = arith.constant 0 : i32
      %lt3A_299 = arith.cmpi slt, %select_n3A_292, %lt3A_298 : i32
      %ne3A_300 = arith.xori %lt3A_297, %lt3A_299 : i1
      %and3A_301 = arith.andi %ne3A_300, %ne3A_295 : i1
      %add3A_302 = arith.addi %rem3A_293, %select_n3A_292 : i32
      %select_n3A_303 = arith.select %and3A_301, %add3A_302, %rem3A_293 : i32
      %swap3A_304 = arith.index_cast %select_n3A_287 : i32 to index
      %swap3A_305 = arith.index_cast %select_n3A_303 : i32 to index
      %swap3A_306 = arith.constant 32 : index
      %swap3A_307 = tpu.vector_load %arg5[%swap3A_304, %swap3A_305, %swap3A_306] {strides = array<i32>} : memref<25x8x128xi32, #tpu.memory_space<vmem>>, vector<16xi32>,
      tpu.vector_store %arg5[%swap3A_304, %swap3A_305, %swap3A_306], %gather3A_57 {strides = array<i32>} : memref<25x8x128xi32, #tpu.memory_space<vmem>>, vector<16xi32>,
      %mul3A_308 = arith.constant 2 : i32
      %mul3A_309 = arith.muli %mul3A_308, %scan3A_32 : i32
      %add3A_310 = arith.constant 0 : i32
      %add3A_311 = arith.addi %mul3A_309, %add3A_310 : i32
      %jit3A_312 = arith.constant 8 : i32
      %div3A_313 = arith.divsi %add3A_311, %jit3A_312 : i32
      %sign3A_314 = arith.constant 0 : i32
      %sign3A_315 = arith.cmpi sgt, %add3A_311, %sign3A_314 : i32
      %sign3A_316 = arith.extui %sign3A_315 : i1 to i32
      %sign3A_317 = arith.constant 0 : i32
      %sign3A_318 = arith.cmpi slt, %add3A_311, %sign3A_317 : i32
      %sign3A_319 = arith.extui %sign3A_318 : i1 to i32
      %sign3A_320 = arith.subi %sign3A_316, %sign3A_319 : i32
      %sign3A_321 = arith.constant 0 : i32
      %sign3A_322 = arith.cmpi sgt, %jit3A_312, %sign3A_321 : i32
      %sign3A_323 = arith.extui %sign3A_322 : i1 to i32
      %sign3A_324 = arith.constant 0 : i32
      %sign3A_325 = arith.cmpi slt, %jit3A_312, %sign3A_324 : i32
      %sign3A_326 = arith.extui %sign3A_325 : i1 to i32
      %sign3A_327 = arith.subi %sign3A_323, %sign3A_326 : i32
      %ne3A_328 = arith.cmpi ne, %sign3A_320, %sign3A_327 : i32
      %rem3A_329 = arith.remsi %add3A_311, %jit3A_312 : i32
      %ne3A_330 = arith.constant 0 : i32
      %ne3A_331 = arith.cmpi ne, %rem3A_329, %ne3A_330 : i32
      %and3A_332 = arith.andi %ne3A_328, %ne3A_331 : i1
      %sub3A_333 = arith.constant 1 : i32
      %sub3A_334 = arith.subi %div3A_313, %sub3A_333 : i32
      %select_n3A_335 = arith.select %and3A_332, %sub3A_334, %div3A_313 : i32
      %jit3A_336 = arith.constant 8 : i32
      %eq3A_337 = arith.constant 0 : i32
      %eq3A_338 = arith.cmpi eq, %jit3A_336, %eq3A_337 : i32
      %jit3A_339 = arith.constant 1 : i32
      %select_n3A_340 = arith.select %eq3A_338, %jit3A_339, %jit3A_336 : i32
      %rem3A_341 = arith.remsi %add3A_311, %select_n3A_340 : i32
      %ne3A_342 = arith.constant 0 : i32
      %ne3A_343 = arith.cmpi ne, %rem3A_341, %ne3A_342 : i32
      %lt3A_344 = arith.constant 0 : i32
      %lt3A_345 = arith.cmpi slt, %rem3A_341, %lt3A_344 : i32
      %lt3A_346 = arith.constant 0 : i32
      %lt3A_347 = arith.cmpi slt, %select_n3A_340, %lt3A_346 : i32
      %ne3A_348 = arith.xori %lt3A_345, %lt3A_347 : i1
      %and3A_349 = arith.andi %ne3A_348, %ne3A_343 : i1
      %add3A_350 = arith.addi %rem3A_341, %select_n3A_340 : i32
      %select_n3A_351 = arith.select %and3A_349, %add3A_350, %rem3A_341 : i32
      %swap3A_352 = arith.index_cast %select_n3A_335 : i32 to index
      %swap3A_353 = arith.index_cast %select_n3A_351 : i32 to index
      %swap3A_354 = arith.constant 48 : index
      %swap3A_355 = tpu.vector_load %arg5[%swap3A_352, %swap3A_353, %swap3A_354] {strides = array<i32>} : memref<25x8x128xi32, #tpu.memory_space<vmem>>, vector<16xi32>,
      tpu.vector_store %arg5[%swap3A_352, %swap3A_353, %swap3A_354], %gather3A_66 {strides = array<i32>} : memref<25x8x128xi32, #tpu.memory_space<vmem>>, vector<16xi32>,
      %mul3A_356 = arith.constant 2 : i32
      %mul3A_357 = arith.muli %mul3A_356, %scan3A_32 : i32
      %add3A_358 = arith.constant 0 : i32
      %add3A_359 = arith.addi %mul3A_357, %add3A_358 : i32
      %jit3A_360 = arith.constant 8 : i32
      %div3A_361 = arith.divsi %add3A_359, %jit3A_360 : i32
      %sign3A_362 = arith.constant 0 : i32
      %sign3A_363 = arith.cmpi sgt, %add3A_359, %sign3A_362 : i32
      %sign3A_364 = arith.extui %sign3A_363 : i1 to i32
      %sign3A_365 = arith.constant 0 : i32
      %sign3A_366 = arith.cmpi slt, %add3A_359, %sign3A_365 : i32
      %sign3A_367 = arith.extui %sign3A_366 : i1 to i32
      %sign3A_368 = arith.subi %sign3A_364, %sign3A_367 : i32
      %sign3A_369 = arith.constant 0 : i32
      %sign3A_370 = arith.cmpi sgt, %jit3A_360, %sign3A_369 : i32
      %sign3A_371 = arith.extui %sign3A_370 : i1 to i32
      %sign3A_372 = arith.constant 0 : i32
      %sign3A_373 = arith.cmpi slt, %jit3A_360, %sign3A_372 : i32
      %sign3A_374 = arith.extui %sign3A_373 : i1 to i32
      %sign3A_375 = arith.subi %sign3A_371, %sign3A_374 : i32
      %ne3A_376 = arith.cmpi ne, %sign3A_368, %sign3A_375 : i32
      %rem3A_377 = arith.remsi %add3A_359, %jit3A_360 : i32
      %ne3A_378 = arith.constant 0 : i32
      %ne3A_379 = arith.cmpi ne, %rem3A_377, %ne3A_378 : i32
      %and3A_380 = arith.andi %ne3A_376, %ne3A_379 : i1
      %sub3A_381 = arith.constant 1 : i32
      %sub3A_382 = arith.subi %div3A_361, %sub3A_381 : i32
      %select_n3A_383 = arith.select %and3A_380, %sub3A_382, %div3A_361 : i32
      %jit3A_384 = arith.constant 8 : i32
      %eq3A_385 = arith.constant 0 : i32
      %eq3A_386 = arith.cmpi eq, %jit3A_384, %eq3A_385 : i32
      %jit3A_387 = arith.constant 1 : i32
      %select_n3A_388 = arith.select %eq3A_386, %jit3A_387, %jit3A_384 : i32
      %rem3A_389 = arith.remsi %add3A_359, %select_n3A_388 : i32
      %ne3A_390 = arith.constant 0 : i32
      %ne3A_391 = arith.cmpi ne, %rem3A_389, %ne3A_390 : i32
      %lt3A_392 = arith.constant 0 : i32
      %lt3A_393 = arith.cmpi slt, %rem3A_389, %lt3A_392 : i32
      %lt3A_394 = arith.constant 0 : i32
      %lt3A_395 = arith.cmpi slt, %select_n3A_388, %lt3A_394 : i32
      %ne3A_396 = arith.xori %lt3A_393, %lt3A_395 : i1
      %and3A_397 = arith.andi %ne3A_396, %ne3A_391 : i1
      %add3A_398 = arith.addi %rem3A_389, %select_n3A_388 : i32
      %select_n3A_399 = arith.select %and3A_397, %add3A_398, %rem3A_389 : i32
      %swap3A_400 = arith.index_cast %select_n3A_383 : i32 to index
      %swap3A_401 = arith.index_cast %select_n3A_399 : i32 to index
      %swap3A_402 = arith.constant 64 : index
      %swap3A_403 = tpu.vector_load %arg5[%swap3A_400, %swap3A_401, %swap3A_402] {strides = array<i32>} : memref<25x8x128xi32, #tpu.memory_space<vmem>>, vector<16xi32>,
      tpu.vector_store %arg5[%swap3A_400, %swap3A_401, %swap3A_402], %gather3A_75 {strides = array<i32>} : memref<25x8x128xi32, #tpu.memory_space<vmem>>, vector<16xi32>,
      %mul3A_404 = arith.constant 2 : i32
      %mul3A_405 = arith.muli %mul3A_404, %scan3A_32 : i32
      %add3A_406 = arith.constant 0 : i32
      %add3A_407 = arith.addi %mul3A_405, %add3A_406 : i32
      %jit3A_408 = arith.constant 8 : i32
      %div3A_409 = arith.divsi %add3A_407, %jit3A_408 : i32
      %sign3A_410 = arith.constant 0 : i32
      %sign3A_411 = arith.cmpi sgt, %add3A_407, %sign3A_410 : i32
      %sign3A_412 = arith.extui %sign3A_411 : i1 to i32
      %sign3A_413 = arith.constant 0 : i32
      %sign3A_414 = arith.cmpi slt, %add3A_407, %sign3A_413 : i32
      %sign3A_415 = arith.extui %sign3A_414 : i1 to i32
      %sign3A_416 = arith.subi %sign3A_412, %sign3A_415 : i32
      %sign3A_417 = arith.constant 0 : i32
      %sign3A_418 = arith.cmpi sgt, %jit3A_408, %sign3A_417 : i32
      %sign3A_419 = arith.extui %sign3A_418 : i1 to i32
      %sign3A_420 = arith.constant 0 : i32
      %sign3A_421 = arith.cmpi slt, %jit3A_408, %sign3A_420 : i32
      %sign3A_422 = arith.extui %sign3A_421 : i1 to i32
      %sign3A_423 = arith.subi %sign3A_419, %sign3A_422 : i32
      %ne3A_424 = arith.cmpi ne, %sign3A_416, %sign3A_423 : i32
      %rem3A_425 = arith.remsi %add3A_407, %jit3A_408 : i32
      %ne3A_426 = arith.constant 0 : i32
      %ne3A_427 = arith.cmpi ne, %rem3A_425, %ne3A_426 : i32
      %and3A_428 = arith.andi %ne3A_424, %ne3A_427 : i1
      %sub3A_429 = arith.constant 1 : i32
      %sub3A_430 = arith.subi %div3A_409, %sub3A_429 : i32
      %select_n3A_431 = arith.select %and3A_428, %sub3A_430, %div3A_409 : i32
      %jit3A_432 = arith.constant 8 : i32
      %eq3A_433 = arith.constant 0 : i32
      %eq3A_434 = arith.cmpi eq, %jit3A_432, %eq3A_433 : i32
      %jit3A_435 = arith.constant 1 : i32
      %select_n3A_436 = arith.select %eq3A_434, %jit3A_435, %jit3A_432 : i32
      %rem3A_437 = arith.remsi %add3A_407, %select_n3A_436 : i32
      %ne3A_438 = arith.constant 0 : i32
      %ne3A_439 = arith.cmpi ne, %rem3A_437, %ne3A_438 : i32
      %lt3A_440 = arith.constant 0 : i32
      %lt3A_441 = arith.cmpi slt, %rem3A_437, %lt3A_440 : i32
      %lt3A_442 = arith.constant 0 : i32
      %lt3A_443 = arith.cmpi slt, %select_n3A_436, %lt3A_442 : i32
      %ne3A_444 = arith.xori %lt3A_441, %lt3A_443 : i1
      %and3A_445 = arith.andi %ne3A_444, %ne3A_439 : i1
      %add3A_446 = arith.addi %rem3A_437, %select_n3A_436 : i32
      %select_n3A_447 = arith.select %and3A_445, %add3A_446, %rem3A_437 : i32
      %swap3A_448 = arith.index_cast %select_n3A_431 : i32 to index
      %swap3A_449 = arith.index_cast %select_n3A_447 : i32 to index
      %swap3A_450 = arith.constant 80 : index
      %swap3A_451 = tpu.vector_load %arg5[%swap3A_448, %swap3A_449, %swap3A_450] {strides = array<i32>} : memref<25x8x128xi32, #tpu.memory_space<vmem>>, vector<16xi32>,
      tpu.vector_store %arg5[%swap3A_448, %swap3A_449, %swap3A_450], %gather3A_84 {strides = array<i32>} : memref<25x8x128xi32, #tpu.memory_space<vmem>>, vector<16xi32>,
      %mul3A_452 = arith.constant 2 : i32
      %mul3A_453 = arith.muli %mul3A_452, %scan3A_32 : i32
      %add3A_454 = arith.constant 0 : i32
      %add3A_455 = arith.addi %mul3A_453, %add3A_454 : i32
      %jit3A_456 = arith.constant 8 : i32
      %div3A_457 = arith.divsi %add3A_455, %jit3A_456 : i32
      %sign3A_458 = arith.constant 0 : i32
      %sign3A_459 = arith.cmpi sgt, %add3A_455, %sign3A_458 : i32
      %sign3A_460 = arith.extui %sign3A_459 : i1 to i32
      %sign3A_461 = arith.constant 0 : i32
      %sign3A_462 = arith.cmpi slt, %add3A_455, %sign3A_461 : i32
      %sign3A_463 = arith.extui %sign3A_462 : i1 to i32
      %sign3A_464 = arith.subi %sign3A_460, %sign3A_463 : i32
      %sign3A_465 = arith.constant 0 : i32
      %sign3A_466 = arith.cmpi sgt, %jit3A_456, %sign3A_465 : i32
      %sign3A_467 = arith.extui %sign3A_466 : i1 to i32
      %sign3A_468 = arith.constant 0 : i32
      %sign3A_469 = arith.cmpi slt, %jit3A_456, %sign3A_468 : i32
      %sign3A_470 = arith.extui %sign3A_469 : i1 to i32
      %sign3A_471 = arith.subi %sign3A_467, %sign3A_470 : i32
      %ne3A_472 = arith.cmpi ne, %sign3A_464, %sign3A_471 : i32
      %rem3A_473 = arith.remsi %add3A_455, %jit3A_456 : i32
      %ne3A_474 = arith.constant 0 : i32
      %ne3A_475 = arith.cmpi ne, %rem3A_473, %ne3A_474 : i32
      %and3A_476 = arith.andi %ne3A_472, %ne3A_475 : i1
      %sub3A_477 = arith.constant 1 : i32
      %sub3A_478 = arith.subi %div3A_457, %sub3A_477 : i32
      %select_n3A_479 = arith.select %and3A_476, %sub3A_478, %div3A_457 : i32
      %jit3A_480 = arith.constant 8 : i32
      %eq3A_481 = arith.constant 0 : i32
      %eq3A_482 = arith.cmpi eq, %jit3A_480, %eq3A_481 : i32
      %jit3A_483 = arith.constant 1 : i32
      %select_n3A_484 = arith.select %eq3A_482, %jit3A_483, %jit3A_480 : i32
      %rem3A_485 = arith.remsi %add3A_455, %select_n3A_484 : i32
      %ne3A_486 = arith.constant 0 : i32
      %ne3A_487 = arith.cmpi ne, %rem3A_485, %ne3A_486 : i32
      %lt3A_488 = arith.constant 0 : i32
      %lt3A_489 = arith.cmpi slt, %rem3A_485, %lt3A_488 : i32
      %lt3A_490 = arith.constant 0 : i32
      %lt3A_491 = arith.cmpi slt, %select_n3A_484, %lt3A_490 : i32
      %ne3A_492 = arith.xori %lt3A_489, %lt3A_491 : i1
      %and3A_493 = arith.andi %ne3A_492, %ne3A_487 : i1
      %add3A_494 = arith.addi %rem3A_485, %select_n3A_484 : i32
      %select_n3A_495 = arith.select %and3A_493, %add3A_494, %rem3A_485 : i32
      %swap3A_496 = arith.index_cast %select_n3A_479 : i32 to index
      %swap3A_497 = arith.index_cast %select_n3A_495 : i32 to index
      %swap3A_498 = arith.constant 96 : index
      %swap3A_499 = tpu.vector_load %arg5[%swap3A_496, %swap3A_497, %swap3A_498] {strides = array<i32>} : memref<25x8x128xi32, #tpu.memory_space<vmem>>, vector<16xi32>,
      tpu.vector_store %arg5[%swap3A_496, %swap3A_497, %swap3A_498], %gather3A_93 {strides = array<i32>} : memref<25x8x128xi32, #tpu.memory_space<vmem>>, vector<16xi32>,
      %mul3A_500 = arith.constant 2 : i32
      %mul3A_501 = arith.muli %mul3A_500, %scan3A_32 : i32
      %add3A_502 = arith.constant 0 : i32
      %add3A_503 = arith.addi %mul3A_501, %add3A_502 : i32
      %jit3A_504 = arith.constant 8 : i32
      %div3A_505 = arith.divsi %add3A_503, %jit3A_504 : i32
      %sign3A_506 = arith.constant 0 : i32
      %sign3A_507 = arith.cmpi sgt, %add3A_503, %sign3A_506 : i32
      %sign3A_508 = arith.extui %sign3A_507 : i1 to i32
      %sign3A_509 = arith.constant 0 : i32
      %sign3A_510 = arith.cmpi slt, %add3A_503, %sign3A_509 : i32
      %sign3A_511 = arith.extui %sign3A_510 : i1 to i32
      %sign3A_512 = arith.subi %sign3A_508, %sign3A_511 : i32
      %sign3A_513 = arith.constant 0 : i32
      %sign3A_514 = arith.cmpi sgt, %jit3A_504, %sign3A_513 : i32
      %sign3A_515 = arith.extui %sign3A_514 : i1 to i32
      %sign3A_516 = arith.constant 0 : i32
      %sign3A_517 = arith.cmpi slt, %jit3A_504, %sign3A_516 : i32
      %sign3A_518 = arith.extui %sign3A_517 : i1 to i32
      %sign3A_519 = arith.subi %sign3A_515, %sign3A_518 : i32
      %ne3A_520 = arith.cmpi ne, %sign3A_512, %sign3A_519 : i32
      %rem3A_521 = arith.remsi %add3A_503, %jit3A_504 : i32
      %ne3A_522 = arith.constant 0 : i32
      %ne3A_523 = arith.cmpi ne, %rem3A_521, %ne3A_522 : i32
      %and3A_524 = arith.andi %ne3A_520, %ne3A_523 : i1
      %sub3A_525 = arith.constant 1 : i32
      %sub3A_526 = arith.subi %div3A_505, %sub3A_525 : i32
      %select_n3A_527 = arith.select %and3A_524, %sub3A_526, %div3A_505 : i32
      %jit3A_528 = arith.constant 8 : i32
      %eq3A_529 = arith.constant 0 : i32
      %eq3A_530 = arith.cmpi eq, %jit3A_528, %eq3A_529 : i32
      %jit3A_531 = arith.constant 1 : i32
      %select_n3A_532 = arith.select %eq3A_530, %jit3A_531, %jit3A_528 : i32
      %rem3A_533 = arith.remsi %add3A_503, %select_n3A_532 : i32
      %ne3A_534 = arith.constant 0 : i32
      %ne3A_535 = arith.cmpi ne, %rem3A_533, %ne3A_534 : i32
      %lt3A_536 = arith.constant 0 : i32
      %lt3A_537 = arith.cmpi slt, %rem3A_533, %lt3A_536 : i32
      %lt3A_538 = arith.constant 0 : i32
      %lt3A_539 = arith.cmpi slt, %select_n3A_532, %lt3A_538 : i32
      %ne3A_540 = arith.xori %lt3A_537, %lt3A_539 : i1
      %and3A_541 = arith.andi %ne3A_540, %ne3A_535 : i1
      %add3A_542 = arith.addi %rem3A_533, %select_n3A_532 : i32
      %select_n3A_543 = arith.select %and3A_541, %add3A_542, %rem3A_533 : i32
      %swap3A_544 = arith.index_cast %select_n3A_527 : i32 to index
      %swap3A_545 = arith.index_cast %select_n3A_543 : i32 to index
      %swap3A_546 = arith.constant 112 : index
      %swap3A_547 = tpu.vector_load %arg5[%swap3A_544, %swap3A_545, %swap3A_546] {strides = array<i32>} : memref<25x8x128xi32, #tpu.memory_space<vmem>>, vector<16xi32>,
      tpu.vector_store %arg5[%swap3A_544, %swap3A_545, %swap3A_546], %gather3A_102 {strides = array<i32>} : memref<25x8x128xi32, #tpu.memory_space<vmem>>, vector<16xi32>,
      %mul3A_548 = arith.constant 2 : i32
      %mul3A_549 = arith.muli %mul3A_548, %scan3A_32 : i32
      %add3A_550 = arith.constant 1 : i32
      %add3A_551 = arith.addi %mul3A_549, %add3A_550 : i32
      %jit3A_552 = arith.constant 8 : i32
      %div3A_553 = arith.divsi %add3A_551, %jit3A_552 : i32
      %sign3A_554 = arith.constant 0 : i32
      %sign3A_555 = arith.cmpi sgt, %add3A_551, %sign3A_554 : i32
      %sign3A_556 = arith.extui %sign3A_555 : i1 to i32
      %sign3A_557 = arith.constant 0 : i32
      %sign3A_558 = arith.cmpi slt, %add3A_551, %sign3A_557 : i32
      %sign3A_559 = arith.extui %sign3A_558 : i1 to i32
      %sign3A_560 = arith.subi %sign3A_556, %sign3A_559 : i32
      %sign3A_561 = arith.constant 0 : i32
      %sign3A_562 = arith.cmpi sgt, %jit3A_552, %sign3A_561 : i32
      %sign3A_563 = arith.extui %sign3A_562 : i1 to i32
      %sign3A_564 = arith.constant 0 : i32
      %sign3A_565 = arith.cmpi slt, %jit3A_552, %sign3A_564 : i32
      %sign3A_566 = arith.extui %sign3A_565 : i1 to i32
      %sign3A_567 = arith.subi %sign3A_563, %sign3A_566 : i32
      %ne3A_568 = arith.cmpi ne, %sign3A_560, %sign3A_567 : i32
      %rem3A_569 = arith.remsi %add3A_551, %jit3A_552 : i32
      %ne3A_570 = arith.constant 0 : i32
      %ne3A_571 = arith.cmpi ne, %rem3A_569, %ne3A_570 : i32
      %and3A_572 = arith.andi %ne3A_568, %ne3A_571 : i1
      %sub3A_573 = arith.constant 1 : i32
      %sub3A_574 = arith.subi %div3A_553, %sub3A_573 : i32
      %select_n3A_575 = arith.select %and3A_572, %sub3A_574, %div3A_553 : i32
      %jit3A_576 = arith.constant 8 : i32
      %eq3A_577 = arith.constant 0 : i32
      %eq3A_578 = arith.cmpi eq, %jit3A_576, %eq3A_577 : i32
      %jit3A_579 = arith.constant 1 : i32
      %select_n3A_580 = arith.select %eq3A_578, %jit3A_579, %jit3A_576 : i32
      %rem3A_581 = arith.remsi %add3A_551, %select_n3A_580 : i32
      %ne3A_582 = arith.constant 0 : i32
      %ne3A_583 = arith.cmpi ne, %rem3A_581, %ne3A_582 : i32
      %lt3A_584 = arith.constant 0 : i32
      %lt3A_585 = arith.cmpi slt, %rem3A_581, %lt3A_584 : i32
      %lt3A_586 = arith.constant 0 : i32
      %lt3A_587 = arith.cmpi slt, %select_n3A_580, %lt3A_586 : i32
      %ne3A_588 = arith.xori %lt3A_585, %lt3A_587 : i1
      %and3A_589 = arith.andi %ne3A_588, %ne3A_583 : i1
      %add3A_590 = arith.addi %rem3A_581, %select_n3A_580 : i32
      %select_n3A_591 = arith.select %and3A_589, %add3A_590, %rem3A_581 : i32
      %swap3A_592 = arith.index_cast %select_n3A_575 : i32 to index
      %swap3A_593 = arith.index_cast %select_n3A_591 : i32 to index
      %swap3A_594 = arith.constant 0 : index
      %swap3A_595 = tpu.vector_load %arg5[%swap3A_592, %swap3A_593, %swap3A_594] {strides = array<i32>} : memref<25x8x128xi32, #tpu.memory_space<vmem>>, vector<16xi32>,
      tpu.vector_store %arg5[%swap3A_592, %swap3A_593, %swap3A_594], %gather3A_111 {strides = array<i32>} : memref<25x8x128xi32, #tpu.memory_space<vmem>>, vector<16xi32>,
      %mul3A_596 = arith.constant 2 : i32
      %mul3A_597 = arith.muli %mul3A_596, %scan3A_32 : i32
      %add3A_598 = arith.constant 1 : i32
      %add3A_599 = arith.addi %mul3A_597, %add3A_598 : i32
      %jit3A_600 = arith.constant 8 : i32
      %div3A_601 = arith.divsi %add3A_599, %jit3A_600 : i32
      %sign3A_602 = arith.constant 0 : i32
      %sign3A_603 = arith.cmpi sgt, %add3A_599, %sign3A_602 : i32
      %sign3A_604 = arith.extui %sign3A_603 : i1 to i32
      %sign3A_605 = arith.constant 0 : i32
      %sign3A_606 = arith.cmpi slt, %add3A_599, %sign3A_605 : i32
      %sign3A_607 = arith.extui %sign3A_606 : i1 to i32
      %sign3A_608 = arith.subi %sign3A_604, %sign3A_607 : i32
      %sign3A_609 = arith.constant 0 : i32
      %sign3A_610 = arith.cmpi sgt, %jit3A_600, %sign3A_609 : i32
      %sign3A_611 = arith.extui %sign3A_610 : i1 to i32
      %sign3A_612 = arith.constant 0 : i32
      %sign3A_613 = arith.cmpi slt, %jit3A_600, %sign3A_612 : i32
      %sign3A_614 = arith.extui %sign3A_613 : i1 to i32
      %sign3A_615 = arith.subi %sign3A_611, %sign3A_614 : i32
      %ne3A_616 = arith.cmpi ne, %sign3A_608, %sign3A_615 : i32
      %rem3A_617 = arith.remsi %add3A_599, %jit3A_600 : i32
      %ne3A_618 = arith.constant 0 : i32
      %ne3A_619 = arith.cmpi ne, %rem3A_617, %ne3A_618 : i32
      %and3A_620 = arith.andi %ne3A_616, %ne3A_619 : i1
      %sub3A_621 = arith.constant 1 : i32
      %sub3A_622 = arith.subi %div3A_601, %sub3A_621 : i32
      %select_n3A_623 = arith.select %and3A_620, %sub3A_622, %div3A_601 : i32
      %jit3A_624 = arith.constant 8 : i32
      %eq3A_625 = arith.constant 0 : i32
      %eq3A_626 = arith.cmpi eq, %jit3A_624, %eq3A_625 : i32
      %jit3A_627 = arith.constant 1 : i32
      %select_n3A_628 = arith.select %eq3A_626, %jit3A_627, %jit3A_624 : i32
      %rem3A_629 = arith.remsi %add3A_599, %select_n3A_628 : i32
      %ne3A_630 = arith.constant 0 : i32
      %ne3A_631 = arith.cmpi ne, %rem3A_629, %ne3A_630 : i32
      %lt3A_632 = arith.constant 0 : i32
      %lt3A_633 = arith.cmpi slt, %rem3A_629, %lt3A_632 : i32
      %lt3A_634 = arith.constant 0 : i32
      %lt3A_635 = arith.cmpi slt, %select_n3A_628, %lt3A_634 : i32
      %ne3A_636 = arith.xori %lt3A_633, %lt3A_635 : i1
      %and3A_637 = arith.andi %ne3A_636, %ne3A_631 : i1
      %add3A_638 = arith.addi %rem3A_629, %select_n3A_628 : i32
      %select_n3A_639 = arith.select %and3A_637, %add3A_638, %rem3A_629 : i32
      %swap3A_640 = arith.index_cast %select_n3A_623 : i32 to index
      %swap3A_641 = arith.index_cast %select_n3A_639 : i32 to index
      %swap3A_642 = arith.constant 16 : index
      %swap3A_643 = tpu.vector_load %arg5[%swap3A_640, %swap3A_641, %swap3A_642] {strides = array<i32>} : memref<25x8x128xi32, #tpu.memory_space<vmem>>, vector<16xi32>,
      tpu.vector_store %arg5[%swap3A_640, %swap3A_641, %swap3A_642], %gather3A_120 {strides = array<i32>} : memref<25x8x128xi32, #tpu.memory_space<vmem>>, vector<16xi32>,
      %mul3A_644 = arith.constant 2 : i32
      %mul3A_645 = arith.muli %mul3A_644, %scan3A_32 : i32
      %add3A_646 = arith.constant 1 : i32
      %add3A_647 = arith.addi %mul3A_645, %add3A_646 : i32
      %jit3A_648 = arith.constant 8 : i32
      %div3A_649 = arith.divsi %add3A_647, %jit3A_648 : i32
      %sign3A_650 = arith.constant 0 : i32
      %sign3A_651 = arith.cmpi sgt, %add3A_647, %sign3A_650 : i32
      %sign3A_652 = arith.extui %sign3A_651 : i1 to i32
      %sign3A_653 = arith.constant 0 : i32
      %sign3A_654 = arith.cmpi slt, %add3A_647, %sign3A_653 : i32
      %sign3A_655 = arith.extui %sign3A_654 : i1 to i32
      %sign3A_656 = arith.subi %sign3A_652, %sign3A_655 : i32
      %sign3A_657 = arith.constant 0 : i32
      %sign3A_658 = arith.cmpi sgt, %jit3A_648, %sign3A_657 : i32
      %sign3A_659 = arith.extui %sign3A_658 : i1 to i32
      %sign3A_660 = arith.constant 0 : i32
      %sign3A_661 = arith.cmpi slt, %jit3A_648, %sign3A_660 : i32
      %sign3A_662 = arith.extui %sign3A_661 : i1 to i32
      %sign3A_663 = arith.subi %sign3A_659, %sign3A_662 : i32
      %ne3A_664 = arith.cmpi ne, %sign3A_656, %sign3A_663 : i32
      %rem3A_665 = arith.remsi %add3A_647, %jit3A_648 : i32
      %ne3A_666 = arith.constant 0 : i32
      %ne3A_667 = arith.cmpi ne, %rem3A_665, %ne3A_666 : i32
      %and3A_668 = arith.andi %ne3A_664, %ne3A_667 : i1
      %sub3A_669 = arith.constant 1 : i32
      %sub3A_670 = arith.subi %div3A_649, %sub3A_669 : i32
      %select_n3A_671 = arith.select %and3A_668, %sub3A_670, %div3A_649 : i32
      %jit3A_672 = arith.constant 8 : i32
      %eq3A_673 = arith.constant 0 : i32
      %eq3A_674 = arith.cmpi eq, %jit3A_672, %eq3A_673 : i32
      %jit3A_675 = arith.constant 1 : i32
      %select_n3A_676 = arith.select %eq3A_674, %jit3A_675, %jit3A_672 : i32
      %rem3A_677 = arith.remsi %add3A_647, %select_n3A_676 : i32
      %ne3A_678 = arith.constant 0 : i32
      %ne3A_679 = arith.cmpi ne, %rem3A_677, %ne3A_678 : i32
      %lt3A_680 = arith.constant 0 : i32
      %lt3A_681 = arith.cmpi slt, %rem3A_677, %lt3A_680 : i32
      %lt3A_682 = arith.constant 0 : i32
      %lt3A_683 = arith.cmpi slt, %select_n3A_676, %lt3A_682 : i32
      %ne3A_684 = arith.xori %lt3A_681, %lt3A_683 : i1
      %and3A_685 = arith.andi %ne3A_684, %ne3A_679 : i1
      %add3A_686 = arith.addi %rem3A_677, %select_n3A_676 : i32
      %select_n3A_687 = arith.select %and3A_685, %add3A_686, %rem3A_677 : i32
      %swap3A_688 = arith.index_cast %select_n3A_671 : i32 to index
      %swap3A_689 = arith.index_cast %select_n3A_687 : i32 to index
      %swap3A_690 = arith.constant 32 : index
      %swap3A_691 = tpu.vector_load %arg5[%swap3A_688, %swap3A_689, %swap3A_690] {strides = array<i32>} : memref<25x8x128xi32, #tpu.memory_space<vmem>>, vector<16xi32>,
      tpu.vector_store %arg5[%swap3A_688, %swap3A_689, %swap3A_690], %gather3A_129 {strides = array<i32>} : memref<25x8x128xi32, #tpu.memory_space<vmem>>, vector<16xi32>,
      %mul3A_692 = arith.constant 2 : i32
      %mul3A_693 = arith.muli %mul3A_692, %scan3A_32 : i32
      %add3A_694 = arith.constant 1 : i32
      %add3A_695 = arith.addi %mul3A_693, %add3A_694 : i32
      %jit3A_696 = arith.constant 8 : i32
      %div3A_697 = arith.divsi %add3A_695, %jit3A_696 : i32
      %sign3A_698 = arith.constant 0 : i32
      %sign3A_699 = arith.cmpi sgt, %add3A_695, %sign3A_698 : i32
      %sign3A_700 = arith.extui %sign3A_699 : i1 to i32
      %sign3A_701 = arith.constant 0 : i32
      %sign3A_702 = arith.cmpi slt, %add3A_695, %sign3A_701 : i32
      %sign3A_703 = arith.extui %sign3A_702 : i1 to i32
      %sign3A_704 = arith.subi %sign3A_700, %sign3A_703 : i32
      %sign3A_705 = arith.constant 0 : i32
      %sign3A_706 = arith.cmpi sgt, %jit3A_696, %sign3A_705 : i32
      %sign3A_707 = arith.extui %sign3A_706 : i1 to i32
      %sign3A_708 = arith.constant 0 : i32
      %sign3A_709 = arith.cmpi slt, %jit3A_696, %sign3A_708 : i32
      %sign3A_710 = arith.extui %sign3A_709 : i1 to i32
      %sign3A_711 = arith.subi %sign3A_707, %sign3A_710 : i32
      %ne3A_712 = arith.cmpi ne, %sign3A_704, %sign3A_711 : i32
      %rem3A_713 = arith.remsi %add3A_695, %jit3A_696 : i32
      %ne3A_714 = arith.constant 0 : i32
      %ne3A_715 = arith.cmpi ne, %rem3A_713, %ne3A_714 : i32
      %and3A_716 = arith.andi %ne3A_712, %ne3A_715 : i1
      %sub3A_717 = arith.constant 1 : i32
      %sub3A_718 = arith.subi %div3A_697, %sub3A_717 : i32
      %select_n3A_719 = arith.select %and3A_716, %sub3A_718, %div3A_697 : i32
      %jit3A_720 = arith.constant 8 : i32
      %eq3A_721 = arith.constant 0 : i32
      %eq3A_722 = arith.cmpi eq, %jit3A_720, %eq3A_721 : i32
      %jit3A_723 = arith.constant 1 : i32
      %select_n3A_724 = arith.select %eq3A_722, %jit3A_723, %jit3A_720 : i32
      %rem3A_725 = arith.remsi %add3A_695, %select_n3A_724 : i32
      %ne3A_726 = arith.constant 0 : i32
      %ne3A_727 = arith.cmpi ne, %rem3A_725, %ne3A_726 : i32
      %lt3A_728 = arith.constant 0 : i32
      %lt3A_729 = arith.cmpi slt, %rem3A_725, %lt3A_728 : i32
      %lt3A_730 = arith.constant 0 : i32
      %lt3A_731 = arith.cmpi slt, %select_n3A_724, %lt3A_730 : i32
      %ne3A_732 = arith.xori %lt3A_729, %lt3A_731 : i1
      %and3A_733 = arith.andi %ne3A_732, %ne3A_727 : i1
      %add3A_734 = arith.addi %rem3A_725, %select_n3A_724 : i32
      %select_n3A_735 = arith.select %and3A_733, %add3A_734, %rem3A_725 : i32
      %swap3A_736 = arith.index_cast %select_n3A_719 : i32 to index
      %swap3A_737 = arith.index_cast %select_n3A_735 : i32 to index
      %swap3A_738 = arith.constant 48 : index
      %swap3A_739 = tpu.vector_load %arg5[%swap3A_736, %swap3A_737, %swap3A_738] {strides = array<i32>} : memref<25x8x128xi32, #tpu.memory_space<vmem>>, vector<16xi32>,
      tpu.vector_store %arg5[%swap3A_736, %swap3A_737, %swap3A_738], %gather3A_138 {strides = array<i32>} : memref<25x8x128xi32, #tpu.memory_space<vmem>>, vector<16xi32>,
      %mul3A_740 = arith.constant 2 : i32
      %mul3A_741 = arith.muli %mul3A_740, %scan3A_32 : i32
      %add3A_742 = arith.constant 1 : i32
      %add3A_743 = arith.addi %mul3A_741, %add3A_742 : i32
      %jit3A_744 = arith.constant 8 : i32
      %div3A_745 = arith.divsi %add3A_743, %jit3A_744 : i32
      %sign3A_746 = arith.constant 0 : i32
      %sign3A_747 = arith.cmpi sgt, %add3A_743, %sign3A_746 : i32
      %sign3A_748 = arith.extui %sign3A_747 : i1 to i32
      %sign3A_749 = arith.constant 0 : i32
      %sign3A_750 = arith.cmpi slt, %add3A_743, %sign3A_749 : i32
      %sign3A_751 = arith.extui %sign3A_750 : i1 to i32
      %sign3A_752 = arith.subi %sign3A_748, %sign3A_751 : i32
      %sign3A_753 = arith.constant 0 : i32
      %sign3A_754 = arith.cmpi sgt, %jit3A_744, %sign3A_753 : i32
      %sign3A_755 = arith.extui %sign3A_754 : i1 to i32
      %sign3A_756 = arith.constant 0 : i32
      %sign3A_757 = arith.cmpi slt, %jit3A_744, %sign3A_756 : i32
      %sign3A_758 = arith.extui %sign3A_757 : i1 to i32
      %sign3A_759 = arith.subi %sign3A_755, %sign3A_758 : i32
      %ne3A_760 = arith.cmpi ne, %sign3A_752, %sign3A_759 : i32
      %rem3A_761 = arith.remsi %add3A_743, %jit3A_744 : i32
      %ne3A_762 = arith.constant 0 : i32
      %ne3A_763 = arith.cmpi ne, %rem3A_761, %ne3A_762 : i32
      %and3A_764 = arith.andi %ne3A_760, %ne3A_763 : i1
      %sub3A_765 = arith.constant 1 : i32
      %sub3A_766 = arith.subi %div3A_745, %sub3A_765 : i32
      %select_n3A_767 = arith.select %and3A_764, %sub3A_766, %div3A_745 : i32
      %jit3A_768 = arith.constant 8 : i32
      %eq3A_769 = arith.constant 0 : i32
      %eq3A_770 = arith.cmpi eq, %jit3A_768, %eq3A_769 : i32
      %jit3A_771 = arith.constant 1 : i32
      %select_n3A_772 = arith.select %eq3A_770, %jit3A_771, %jit3A_768 : i32
      %rem3A_773 = arith.remsi %add3A_743, %select_n3A_772 : i32
      %ne3A_774 = arith.constant 0 : i32
      %ne3A_775 = arith.cmpi ne, %rem3A_773, %ne3A_774 : i32
      %lt3A_776 = arith.constant 0 : i32
      %lt3A_777 = arith.cmpi slt, %rem3A_773, %lt3A_776 : i32
      %lt3A_778 = arith.constant 0 : i32
      %lt3A_779 = arith.cmpi slt, %select_n3A_772, %lt3A_778 : i32
      %ne3A_780 = arith.xori %lt3A_777, %lt3A_779 : i1
      %and3A_781 = arith.andi %ne3A_780, %ne3A_775 : i1
      %add3A_782 = arith.addi %rem3A_773, %select_n3A_772 : i32
      %select_n3A_783 = arith.select %and3A_781, %add3A_782, %rem3A_773 : i32
      %swap3A_784 = arith.index_cast %select_n3A_767 : i32 to index
      %swap3A_785 = arith.index_cast %select_n3A_783 : i32 to index
      %swap3A_786 = arith.constant 64 : index
      %swap3A_787 = tpu.vector_load %arg5[%swap3A_784, %swap3A_785, %swap3A_786] {strides = array<i32>} : memref<25x8x128xi32, #tpu.memory_space<vmem>>, vector<16xi32>,
      tpu.vector_store %arg5[%swap3A_784, %swap3A_785, %swap3A_786], %gather3A_147 {strides = array<i32>} : memref<25x8x128xi32, #tpu.memory_space<vmem>>, vector<16xi32>,
      %mul3A_788 = arith.constant 2 : i32
      %mul3A_789 = arith.muli %mul3A_788, %scan3A_32 : i32
      %add3A_790 = arith.constant 1 : i32
      %add3A_791 = arith.addi %mul3A_789, %add3A_790 : i32
      %jit3A_792 = arith.constant 8 : i32
      %div3A_793 = arith.divsi %add3A_791, %jit3A_792 : i32
      %sign3A_794 = arith.constant 0 : i32
      %sign3A_795 = arith.cmpi sgt, %add3A_791, %sign3A_794 : i32
      %sign3A_796 = arith.extui %sign3A_795 : i1 to i32
      %sign3A_797 = arith.constant 0 : i32
      %sign3A_798 = arith.cmpi slt, %add3A_791, %sign3A_797 : i32
      %sign3A_799 = arith.extui %sign3A_798 : i1 to i32
      %sign3A_800 = arith.subi %sign3A_796, %sign3A_799 : i32
      %sign3A_801 = arith.constant 0 : i32
      %sign3A_802 = arith.cmpi sgt, %jit3A_792, %sign3A_801 : i32
      %sign3A_803 = arith.extui %sign3A_802 : i1 to i32
      %sign3A_804 = arith.constant 0 : i32
      %sign3A_805 = arith.cmpi slt, %jit3A_792, %sign3A_804 : i32
      %sign3A_806 = arith.extui %sign3A_805 : i1 to i32
      %sign3A_807 = arith.subi %sign3A_803, %sign3A_806 : i32
      %ne3A_808 = arith.cmpi ne, %sign3A_800, %sign3A_807 : i32
      %rem3A_809 = arith.remsi %add3A_791, %jit3A_792 : i32
      %ne3A_810 = arith.constant 0 : i32
      %ne3A_811 = arith.cmpi ne, %rem3A_809, %ne3A_810 : i32
      %and3A_812 = arith.andi %ne3A_808, %ne3A_811 : i1
      %sub3A_813 = arith.constant 1 : i32
      %sub3A_814 = arith.subi %div3A_793, %sub3A_813 : i32
      %select_n3A_815 = arith.select %and3A_812, %sub3A_814, %div3A_793 : i32
      %jit3A_816 = arith.constant 8 : i32
      %eq3A_817 = arith.constant 0 : i32
      %eq3A_818 = arith.cmpi eq, %jit3A_816, %eq3A_817 : i32
      %jit3A_819 = arith.constant 1 : i32
      %select_n3A_820 = arith.select %eq3A_818, %jit3A_819, %jit3A_816 : i32
      %rem3A_821 = arith.remsi %add3A_791, %select_n3A_820 : i32
      %ne3A_822 = arith.constant 0 : i32
      %ne3A_823 = arith.cmpi ne, %rem3A_821, %ne3A_822 : i32
      %lt3A_824 = arith.constant 0 : i32
      %lt3A_825 = arith.cmpi slt, %rem3A_821, %lt3A_824 : i32
      %lt3A_826 = arith.constant 0 : i32
      %lt3A_827 = arith.cmpi slt, %select_n3A_820, %lt3A_826 : i32
      %ne3A_828 = arith.xori %lt3A_825, %lt3A_827 : i1
      %and3A_829 = arith.andi %ne3A_828, %ne3A_823 : i1
      %add3A_830 = arith.addi %rem3A_821, %select_n3A_820 : i32
      %select_n3A_831 = arith.select %and3A_829, %add3A_830, %rem3A_821 : i32
      %swap3A_832 = arith.index_cast %select_n3A_815 : i32 to index
      %swap3A_833 = arith.index_cast %select_n3A_831 : i32 to index
      %swap3A_834 = arith.constant 80 : index
      %swap3A_835 = tpu.vector_load %arg5[%swap3A_832, %swap3A_833, %swap3A_834] {strides = array<i32>} : memref<25x8x128xi32, #tpu.memory_space<vmem>>, vector<16xi32>,
      tpu.vector_store %arg5[%swap3A_832, %swap3A_833, %swap3A_834], %gather3A_156 {strides = array<i32>} : memref<25x8x128xi32, #tpu.memory_space<vmem>>, vector<16xi32>,
      %mul3A_836 = arith.constant 2 : i32
      %mul3A_837 = arith.muli %mul3A_836, %scan3A_32 : i32
      %add3A_838 = arith.constant 1 : i32
      %add3A_839 = arith.addi %mul3A_837, %add3A_838 : i32
      %jit3A_840 = arith.constant 8 : i32
      %div3A_841 = arith.divsi %add3A_839, %jit3A_840 : i32
      %sign3A_842 = arith.constant 0 : i32
      %sign3A_843 = arith.cmpi sgt, %add3A_839, %sign3A_842 : i32
      %sign3A_844 = arith.extui %sign3A_843 : i1 to i32
      %sign3A_845 = arith.constant 0 : i32
      %sign3A_846 = arith.cmpi slt, %add3A_839, %sign3A_845 : i32
      %sign3A_847 = arith.extui %sign3A_846 : i1 to i32
      %sign3A_848 = arith.subi %sign3A_844, %sign3A_847 : i32
      %sign3A_849 = arith.constant 0 : i32
      %sign3A_850 = arith.cmpi sgt, %jit3A_840, %sign3A_849 : i32
      %sign3A_851 = arith.extui %sign3A_850 : i1 to i32
      %sign3A_852 = arith.constant 0 : i32
      %sign3A_853 = arith.cmpi slt, %jit3A_840, %sign3A_852 : i32
      %sign3A_854 = arith.extui %sign3A_853 : i1 to i32
      %sign3A_855 = arith.subi %sign3A_851, %sign3A_854 : i32
      %ne3A_856 = arith.cmpi ne, %sign3A_848, %sign3A_855 : i32
      %rem3A_857 = arith.remsi %add3A_839, %jit3A_840 : i32
      %ne3A_858 = arith.constant 0 : i32
      %ne3A_859 = arith.cmpi ne, %rem3A_857, %ne3A_858 : i32
      %and3A_860 = arith.andi %ne3A_856, %ne3A_859 : i1
      %sub3A_861 = arith.constant 1 : i32
      %sub3A_862 = arith.subi %div3A_841, %sub3A_861 : i32
      %select_n3A_863 = arith.select %and3A_860, %sub3A_862, %div3A_841 : i32
      %jit3A_864 = arith.constant 8 : i32
      %eq3A_865 = arith.constant 0 : i32
      %eq3A_866 = arith.cmpi eq, %jit3A_864, %eq3A_865 : i32
      %jit3A_867 = arith.constant 1 : i32
      %select_n3A_868 = arith.select %eq3A_866, %jit3A_867, %jit3A_864 : i32
      %rem3A_869 = arith.remsi %add3A_839, %select_n3A_868 : i32
      %ne3A_870 = arith.constant 0 : i32
      %ne3A_871 = arith.cmpi ne, %rem3A_869, %ne3A_870 : i32
      %lt3A_872 = arith.constant 0 : i32
      %lt3A_873 = arith.cmpi slt, %rem3A_869, %lt3A_872 : i32
      %lt3A_874 = arith.constant 0 : i32
      %lt3A_875 = arith.cmpi slt, %select_n3A_868, %lt3A_874 : i32
      %ne3A_876 = arith.xori %lt3A_873, %lt3A_875 : i1
      %and3A_877 = arith.andi %ne3A_876, %ne3A_871 : i1
      %add3A_878 = arith.addi %rem3A_869, %select_n3A_868 : i32
      %select_n3A_879 = arith.select %and3A_877, %add3A_878, %rem3A_869 : i32
      %swap3A_880 = arith.index_cast %select_n3A_863 : i32 to index
      %swap3A_881 = arith.index_cast %select_n3A_879 : i32 to index
      %swap3A_882 = arith.constant 96 : index
      %swap3A_883 = tpu.vector_load %arg5[%swap3A_880, %swap3A_881, %swap3A_882] {strides = array<i32>} : memref<25x8x128xi32, #tpu.memory_space<vmem>>, vector<16xi32>,
      tpu.vector_store %arg5[%swap3A_880, %swap3A_881, %swap3A_882], %gather3A_165 {strides = array<i32>} : memref<25x8x128xi32, #tpu.memory_space<vmem>>, vector<16xi32>,
      %mul3A_884 = arith.constant 2 : i32
      %mul3A_885 = arith.muli %mul3A_884, %scan3A_32 : i32
      %add3A_886 = arith.constant 1 : i32
      %add3A_887 = arith.addi %mul3A_885, %add3A_886 : i32
      %jit3A_888 = arith.constant 8 : i32
      %div3A_889 = arith.divsi %add3A_887, %jit3A_888 : i32
      %sign3A_890 = arith.constant 0 : i32
      %sign3A_891 = arith.cmpi sgt, %add3A_887, %sign3A_890 : i32
      %sign3A_892 = arith.extui %sign3A_891 : i1 to i32
      %sign3A_893 = arith.constant 0 : i32
      %sign3A_894 = arith.cmpi slt, %add3A_887, %sign3A_893 : i32
      %sign3A_895 = arith.extui %sign3A_894 : i1 to i32
      %sign3A_896 = arith.subi %sign3A_892, %sign3A_895 : i32
      %sign3A_897 = arith.constant 0 : i32
      %sign3A_898 = arith.cmpi sgt, %jit3A_888, %sign3A_897 : i32
      %sign3A_899 = arith.extui %sign3A_898 : i1 to i32
      %sign3A_900 = arith.constant 0 : i32
      %sign3A_901 = arith.cmpi slt, %jit3A_888, %sign3A_900 : i32
      %sign3A_902 = arith.extui %sign3A_901 : i1 to i32
      %sign3A_903 = arith.subi %sign3A_899, %sign3A_902 : i32
      %ne3A_904 = arith.cmpi ne, %sign3A_896, %sign3A_903 : i32
      %rem3A_905 = arith.remsi %add3A_887, %jit3A_888 : i32
      %ne3A_906 = arith.constant 0 : i32
      %ne3A_907 = arith.cmpi ne, %rem3A_905, %ne3A_906 : i32
      %and3A_908 = arith.andi %ne3A_904, %ne3A_907 : i1
      %sub3A_909 = arith.constant 1 : i32
      %sub3A_910 = arith.subi %div3A_889, %sub3A_909 : i32
      %select_n3A_911 = arith.select %and3A_908, %sub3A_910, %div3A_889 : i32
      %jit3A_912 = arith.constant 8 : i32
      %eq3A_913 = arith.constant 0 : i32
      %eq3A_914 = arith.cmpi eq, %jit3A_912, %eq3A_913 : i32
      %jit3A_915 = arith.constant 1 : i32
      %select_n3A_916 = arith.select %eq3A_914, %jit3A_915, %jit3A_912 : i32
      %rem3A_917 = arith.remsi %add3A_887, %select_n3A_916 : i32
      %ne3A_918 = arith.constant 0 : i32
      %ne3A_919 = arith.cmpi ne, %rem3A_917, %ne3A_918 : i32
      %lt3A_920 = arith.constant 0 : i32
      %lt3A_921 = arith.cmpi slt, %rem3A_917, %lt3A_920 : i32
      %lt3A_922 = arith.constant 0 : i32
      %lt3A_923 = arith.cmpi slt, %select_n3A_916, %lt3A_922 : i32
      %ne3A_924 = arith.xori %lt3A_921, %lt3A_923 : i1
      %and3A_925 = arith.andi %ne3A_924, %ne3A_919 : i1
      %add3A_926 = arith.addi %rem3A_917, %select_n3A_916 : i32
      %select_n3A_927 = arith.select %and3A_925, %add3A_926, %rem3A_917 : i32
      %swap3A_928 = arith.index_cast %select_n3A_911 : i32 to index
      %swap3A_929 = arith.index_cast %select_n3A_927 : i32 to index
      %swap3A_930 = arith.constant 112 : index
      %swap3A_931 = tpu.vector_load %arg5[%swap3A_928, %swap3A_929, %swap3A_930] {strides = array<i32>} : memref<25x8x128xi32, #tpu.memory_space<vmem>>, vector<16xi32>,
      tpu.vector_store %arg5[%swap3A_928, %swap3A_929, %swap3A_930], %gather3A_174 {strides = array<i32>} : memref<25x8x128xi32, #tpu.memory_space<vmem>>, vector<16xi32>,
    }
    %scan3A_31 = arith.constant 100 : i32
    "tpu.region"() ({
      %run_scoped3A = tpu.sem_alloc : memref<!tpu.dma_semaphore, #tpu.memory_space<semaphore_mem>>
      %dma_start3A = arith.constant 0 : i32
      %dma_start3A_32 = arith.constant 0 : i32
      %dma_start3A_33 = arith.constant 0 : i32
      %dma_start3A_34 = tpu.memref_slice %arg3[%add3A, %dma_start3A, %dma_start3A_32, %dma_start3A_33] : memref<32x25x8x128xi32, #tpu.memory_space<hbm>> -> memref<1x25x8x128xi32, #tpu.memory_space<hbm>>
      %dma_start3A_35 = tpu.memref_squeeze %dma_start3A_34 : memref<1x25x8x128xi32, #tpu.memory_space<hbm>> -> memref<25x8x128xi32, #tpu.memory_space<hbm>>
      %dma_start3A_36 = arith.constant 0 : i32
      %dma_start3A_37 = arith.constant 0 : i32
      %dma_start3A_38 = arith.constant 0 : i32
      %dma_start3A_39 = tpu.memref_slice %arg3[%add3A, %dma_start3A_36, %dma_start3A_37, %dma_start3A_38] : memref<32x25x8x128xi32, #tpu.memory_space<hbm>> -> memref<1x25x8x128xi32, #tpu.memory_space<hbm>>
      %dma_start3A_40 = tpu.memref_squeeze %dma_start3A_39 : memref<1x25x8x128xi32, #tpu.memory_space<hbm>> -> memref<25x8x128xi32, #tpu.memory_space<hbm>>
      tpu.enqueue_dma source(%arg5 : memref<25x8x128xi32, #tpu.memory_space<vmem>>) target(%dma_start3A_40 : memref<25x8x128xi32, #tpu.memory_space<hbm>>) target_semaphore(%run_scoped3A : memref<!tpu.dma_semaphore, #tpu.memory_space<semaphore_mem>>)
      %dma_wait3A = arith.constant 0 : i32
      %dma_wait3A_41 = arith.constant 0 : i32
      %dma_wait3A_42 = arith.constant 0 : i32
      %dma_wait3A_43 = tpu.memref_slice %arg3[%add3A, %dma_wait3A, %dma_wait3A_41, %dma_wait3A_42] : memref<32x25x8x128xi32, #tpu.memory_space<hbm>> -> memref<1x25x8x128xi32, #tpu.memory_space<hbm>>
      %dma_wait3A_44 = tpu.memref_squeeze %dma_wait3A_43 : memref<1x25x8x128xi32, #tpu.memory_space<hbm>> -> memref<25x8x128xi32, #tpu.memory_space<hbm>>
      %dma_wait3A_45 = arith.constant 0 : i32
      %dma_wait3A_46 = arith.constant 0 : i32
      %dma_wait3A_47 = arith.constant 0 : i32
      %dma_wait3A_48 = tpu.memref_slice %arg3[%add3A, %dma_wait3A_45, %dma_wait3A_46, %dma_wait3A_47] : memref<32x25x8x128xi32, #tpu.memory_space<hbm>> -> memref<1x25x8x128xi32, #tpu.memory_space<hbm>>
      %dma_wait3A_49 = tpu.memref_squeeze %dma_wait3A_48 : memref<1x25x8x128xi32, #tpu.memory_space<hbm>> -> memref<25x8x128xi32, #tpu.memory_space<hbm>>
      tpu.wait_dma2 semaphore(%run_scoped3A : memref<!tpu.dma_semaphore, #tpu.memory_space<semaphore_mem>>) src(%arg5 : memref<25x8x128xi32, #tpu.memory_space<vmem>>) dst(%dma_wait3A_49 : memref<25x8x128xi32, #tpu.memory_space<hbm>>)
      tpu.yield
    }) : () -> ()
    return
  }
}

</mosaic_0001>

<sc_bundles>
// kernel: _transpose_tokens.3.cloned.1.call-start
scs
__scs_entry_jumppad:
0x0: {  	(pc) =	sbr.rel $0x88, $3  }
0x1: {  	(tag) =	ssettag $0x0;
	lr =	simm.s32 $0x1  }
0x2: {  	[smem:$0x3FA0] =	sst lr;
	_ =	strace $0xD0000000  }
0x3: {  	_ = 	snop  }
0x4: {  	_ = 	snop  }
0x5: {  	_ = 	snop  }
0x6: {  	_ = 	snop  }
0x7: {  	_ = 	snop  }
__scs_overlays_trampoline_lowered:
0x8: {  	[smem:$0x3FAF] =	sst s0  }
0x9: {  	[smem:$0x3FB0] =	sst s1  }
0xa: {  	[smem:$0x3FB1] =	sst s2  }
0xb: {  	[smem:$0x3FB2] =	sst s3  }
0xc: {  	[smem:$0x3FB3] =	sst s4  }
0xd: {  	[smem:$0x3FB4] =	sst s5  }
0xe: {  	[smem:$0x3FB5] =	sst s6  }
0xf: {  	[smem:$0x3FB6] =	sst s7  }
0x10: {  	[smem:$0x3FB7] =	sst s8  }
0x11: {  	[smem:$0x3FB8] =	sst s9;
	s0 =	simm.s32 @!p0 $0x0  }
0x12: {  	s1 =	sld [smem:$0x3F9E];
	s0 =	simm.s32 @p0 $0x1  }
0x13: {  	[smem:$0x3FB9] =	sst s0;
	s0 =	simm.s32 @!p1 $0x0  }
0x14: {  	s2 =	sld [smem:$0x3F9D];
	s0 =	simm.s32 @p1 $0x1  }
0x15: {  	[smem:$0x3FBA] =	sst s0;
	s0 =	simm.s32 @!p2 $0x0  }
0x16: {  	s3 =	sld [smem:$0x3FDB];
	s0 =	simm.s32 @p2 $0x1  }
0x17: {  	s4 =	simm.s32 $0x1BF5;
	[smem:$0x3FBC] =	sst s0  }
0x18: {  	s0 =	sld [smem:$0x3F9F];
	_ =	swait.ge [sflag:s4], $0x0  }
0x19: {  	s7 =	sld [smem:$0x3FA0]  }
0x1a: {  	s8 =	sadd.s32 $0xFFFFE003, lr  }
0x1b: {  	s9 =	sadd.s32 $0xFFFFFEF7, lr;
	s5 =	simm.s32 $0xFFFFFFFF;
	p2 =	slt.u32 s8, $0xFFFFF086  }
0x1c: {  	p1 =	slt.u32 s9, $0xF7A;
	s5 =	simm.s32 @!p2 $0x0  }
0x1d: {  	s5 =	simm.s32 @p1 $0x1;
	p0 =	seq.s32 s7, s2  }
0x1e: {  	s7 =	smul.u32 @!p0 $0xF7A, s2;
	p2 =	seq.s32 @!p0 s5, $0x0  }
0x1f: {  	s9 =	smul.u32 $0xF7A, s1;
	s8 =	simm.s32 @!p0 $0x1BF5;
	p2 =	por !p2, p0  }
0x20: {  	[sflag:s8] =	ssyncset.s32 @!p0 $0xFFFFF086;
	s6 =	sadd.s32 @!p0 s3, s7;
	s7 =	simm.s32 @!p0 $0x108  }
0x21: {  	s3 =	sadd.s32 s3, s9;
	s6 =	sadd.s32 @!p0 $0x88, s6;
	s7 =	simm.s32 @p2 $0x1082  }
0x22: {  	[simem:s7], [sflag:s8] =	dma.local @!p0 [hbm:s6], $0xF7A  }
0x23: {  	s9 =	sor.u32 $0xD0000000, s2;
	s6 =	simm.s32 $0x108;
	_ =	swait.ge @!p0 [sflag:s8], $0x0  }
0x24: {  	s3 =	sadd.s32 $0x88, s3;
	s6 =	simm.s32 @!p1 $0x1082;
	[sflag:s4] =	ssyncset.s32 $0xFFFFF086  }
0x25: {  	[simem:s6], [sflag:s4] =	dma.local [hbm:s3], $0xF7A  }
0x26: {  	[smem:$0x3FA0] =	sst s1;
	(tag) =	ssettag s2;
	_ =	strace s9  }
0x27: {  	s1 =	sld [smem:$0x3FB0]  }
0x28: {  	s2 =	sld [smem:$0x3FB1]  }
0x29: {  	s4 =	sld [smem:$0x3FB3]  }
0x2a: {  	p0 =	seq.s32 s5, $0x0;
	s5 =	sld [smem:$0x3FB4]  }
0x2b: {  	s6 =	sld [smem:$0x3FB5]  }
0x2c: {  	s7 =	sld [smem:$0x3FB6]  }
0x2d: {  	s3 =	simm.s32 $0x108;
	s8 =	sld [smem:$0x3FB7]  }
0x2e: {  	s3 =	simm.s32 @!p0 $0x1082;
	s9 =	sld [smem:$0x3FB8]  }
0x2f: {  	lr =	sadd.s32 s0, s3;
	s0 =	sld [smem:$0x3FAF]  }
0x30: {  	s3 =	sld [smem:$0x3FB2]  }
0x31: {  	[smem:$0x3FBB] =	sst s10  }
0x32: {  	s10 =	sld [smem:$0x3FB9];
	_ =	sdelay $0x3  }
0x33: {  	p0 =	seq.s32 s10, $0x1;
	s10 =	sld [smem:$0x3FBB];
	_ =	sdelay $0x3  }
0x34: {  	[smem:$0x3FBB] =	sst s10  }
0x35: {  	s10 =	sld [smem:$0x3FBA];
	_ =	sdelay $0x3  }
0x36: {  	p1 =	seq.s32 s10, $0x1;
	s10 =	sld [smem:$0x3FBB];
	_ =	sdelay $0x3  }
0x37: {  	[smem:$0x3FBB] =	sst s10  }
0x38: {  	s10 =	sld [smem:$0x3FBC]  }
0x39: {  	_ = 	snop;
	(pc) =	sbr.ind lr, $3  }
0x3a: {  	_ = 	snop  }
0x3b: {  	_ = 	snop  }
0x3c: {  	p2 =	seq.s32 s10, $0x1;
	s10 =	sld [smem:$0x3FBB]  }
0x3d: {  	_ =	shalt  }
0x3e: {  	_ =	shalt  }
0x3f: {  	_ =	shalt  }
0x40: {  	_ =	shalt  }
0x41: {  	_ =	shalt  }
0x42: {  	_ =	shalt  }
0x43: {  	_ =	shalt  }
0x44: {  	_ =	shalt  }
0x45: {  	_ =	shalt  }
0x46: {  	_ =	shalt  }
0x47: {  	_ =	shalt  }
0x48: {  	_ =	shalt  }
0x49: {  	_ =	shalt  }
0x4a: {  	_ =	shalt  }
0x4b: {  	_ =	shalt  }
0x4c: {  	_ =	shalt  }
0x4d: {  	_ =	shalt  }
0x4e: {  	_ =	shalt  }
0x4f: {  	_ =	shalt  }
0x50: {  	_ =	shalt  }
0x51: {  	_ =	shalt  }
0x52: {  	_ =	shalt  }
0x53: {  	_ =	shalt  }
0x54: {  	_ =	shalt  }
0x55: {  	_ =	shalt  }
0x56: {  	_ =	shalt  }
0x57: {  	_ =	shalt  }
0x58: {  	_ =	shalt  }
0x59: {  	_ =	shalt  }
0x5a: {  	_ =	shalt  }
0x5b: {  	_ =	shalt  }
0x5c: {  	_ =	shalt  }
0x5d: {  	_ =	shalt  }
0x5e: {  	_ =	shalt  }
0x5f: {  	_ =	shalt  }
0x60: {  	_ =	shalt  }
0x61: {  	_ =	shalt  }
0x62: {  	_ =	shalt  }
0x63: {  	_ =	shalt  }
0x64: {  	_ =	shalt  }
0x65: {  	_ =	shalt  }
0x66: {  	_ =	shalt  }
0x67: {  	_ =	shalt  }
0x68: {  	_ =	shalt  }
0x69: {  	_ =	shalt  }
0x6a: {  	_ =	shalt  }
0x6b: {  	_ =	shalt  }
0x6c: {  	_ =	shalt  }
0x6d: {  	_ =	shalt  }
0x6e: {  	_ =	shalt  }
0x6f: {  	_ =	shalt  }
0x70: {  	_ =	shalt  }
0x71: {  	_ =	shalt  }
0x72: {  	_ =	shalt  }
0x73: {  	_ =	shalt  }
0x74: {  	_ =	shalt  }
0x75: {  	_ =	shalt  }
0x76: {  	_ =	shalt  }
0x77: {  	_ =	shalt  }
0x78: {  	_ =	shalt  }
0x79: {  	_ =	shalt  }
0x7a: {  	_ =	shalt  }
0x7b: {  	_ =	shalt  }
0x7c: {  	_ =	shalt  }
0x7d: {  	_ =	shalt  }
0x7e: {  	_ =	shalt  }
0x7f: {  	_ =	shalt  }
0x80: {  	_ =	shalt  }
0x81: {  	_ =	shalt  }
0x82: {  	_ =	shalt  }
0x83: {  	_ =	shalt  }
0x84: {  	_ =	shalt  }
0x85: {  	_ =	shalt  }
0x86: {  	_ =	shalt  }
0x87: {  	_ =	shalt  }
.Lfunc_end0:
.L_simem_size_0:
called_computation_lowered:
.L_overlay_start_0:
0x88: {  	s2 =	sld [smem:$0x3FD9]  }
0x89: {  	s3 =	sld [smem:$0x3FFE];
	_ =	sdelay $0x1  }
0x8a: {  	s1 =	srdreg.scid  }
0x8b: {  	s0 =	sand.u32 $0x1, s1  }
0x8c: {  	s17 =	sshll.u32 s0, $0xA;
	s2 =	sadd.s32 s3, s2  }
0x8d: {  	s2 =	sadd.s32 s2, s17  }
0x8e: {  	[smem:$0x3FC7] =	sst s2  }
0x8f: {  	_ = 	snop  }
0x90: {  	s2 =	sld [smem:$0x3FD0];
	(tm) =	ssettm $0x1  }
0x91: {  	s18 =	sld [smem:$0x3FFB];
	_ =	sdelay $0x3  }
0x92: {  	_ =	strace s18  }
0x93: {  	s3 =	sld [smem:$0x3FFC];
	_ =	sdelay $0x3  }
0x94: {  	_ =	strace s3  }
0x95: {  	s3 =	sld [smem:$0x3FFD];
	_ =	sdelay $0x3  }
0x96: {  	_ =	strace s3  }
0x97: {  	_ =	strace $0x8FFFFFFF  }
0x98: {  	s19 =	sld [smem:$0x3FDB];
	_ =	sdelay $0x1  }
0x99: {  	s4 =	simm.s32 $_scs_section_size  }
0x9a: {  	s5 =	simm.s32 $_size__tile_overlayer_lowered;
	s6 =	simm.s32 $_tile_overlayer_lowered  }
0x9b: {  	s22 =	simm.s32 $0x1BFF;
	s21 =	sshll.u32 s6, $0x1;
	s3 =	sadd.s32 s4, s19  }
0x9c: {  	s7 =	simm.s32 $0x0;
	s20 =	sshll.u32 s5, $0x1;
	s5 =	sadd.s32 s21, s3  }
0x9d: {  	[timem:s7], [sflag:s22] =	dma.local [hbm:s5], s20  }
0x9e: {  	_ =	swait.ge [sflag:s22], s20  }
0x9f: {  	s4 =	ssub.s32 $0x0, s20;
	[sflag:s22] =	ssyncset.done $0x0  }
0xa0: {  	[sflag:s22] =	ssyncadd.s32 s4;
	_ =	sdelay $0x1  }
0xa1: {  	s23 =	simm.s32 $0x1B8B  }
0xa2: {  	_ =	swait.ge [sflag:s23], $0x1  }
0xa3: {  	[sflag:s23] =	ssyncset.done $0x0  }
0xa4: {  	s25 =	simm.s32 $0x1B8E;
	s24 =	sld [smem:$0x3FFE];
	[sflag:s23] =	ssyncadd.s32 $0xFFFFFFFF  }
0xa5: {  	s26 =	simm.s32 $execute0_lowered;
	[smem:$0x3FD2] =	sst s25  }
0xa6: {  	s5 =	sshll.u32 s26, $0x1;
	_ =	strace $0x80000046;
	[dreg:$0x1] =	wrdreg $0xFFFFFFFF  }
0xa7: {  	s28 =	simm.s32 $_size_execute0_lowered;
	s3 =	sadd.s32 s3, s5;
	[dreg:$0x0] =	wrdreg $0x0  }
0xa8: {  	s5 =	sshll.u32 s28, $0x1;
	[dreg:$0x2] =	wrdreg s3  }
0xa9: {  	[dreg:$0x3] =	wrdreg s5  }
0xaa: {  	[dreg:$0x4] =	wrdreg $0xC0  }
0xab: {  	_ =	task [dreg:s7], $0x5FFFF  }
0xac: {  	[dreg:$0x1] =	wrdreg $0xFFFFFFFF  }
0xad: {  	[dreg:$0x0] =	wrdreg $0x60  }
0xae: {  	[dreg:$0x2] =	wrdreg s24  }
0xaf: {  	[dreg:$0x3] =	wrdreg s2  }
0xb0: {  	[dreg:$0x4] =	wrdreg $0x9  }
0xb1: {  	_ =	task.clear_ibuf [dreg:s7], $0x5FFFF;
	_ =	strace $0x90000046  }
0xb2: {  	s29 =	simm.s32 $0x9;
	_ =	strace $0x80000048  }
0xb3: {  	_ =	swait.ge [sflag:s29], $0x1  }
0xb4: {  	[sflag:s29] =	ssyncadd.s32 $0xFFFFFFFF  }
0xb5: {  	_ =	strace $0x90000048  }
0xb6: {  	_ =	sfence  }
0xb7: {  	s30 =	sld [smem:$0x0];
	_ =	sdelay $0x2  }
0xb8: {  	s31 =	sshll.u32 s1, $0xD;
	s1 =	sshrl.u32 s1, $0x2  }
0xb9: {  	s3 =	sand.u32 $0x4000, s31;
	s1 =	sadd.s32 s1, s30  }
0xba: {  	s0 =	sor.u32 s3, s0;
	s1 =	sshll.u32 s1, $0x11  }
0xbb: {  	s0 =	sor.u32 s1, s0  }
0xbc: {  	s0 =	sadd.s32 $0x8F2B, s0  }
0xbd: {  	[sflag:s0] =	ssyncadd.remote.s32 $0x1  }
0xbe: {  	_ =	sfence.sel $0xFFFF  }
0xbf: {  	[dreg:$0x0] =	wrdreg $0xFFFFFFFF;
	(pc) =	sbr.abs _section_cstart, $3  }
0xc0: {  	[dreg:$0x1] =	wrdreg $0xFFFFFFFF  }
0xc1: {  	_ =	task.clear_ibuf [dreg:s7], $0x2FFFF;
	_ =	strace $0x9FFFFFFF  }
0xc2: {  	(tm) =	ssettm $0x7FFFFFFF  }
0xc3: {  	_ =	shalt  }
tec
execute0_lowered:
.L_overlay_start_1:
0x0: {  	(tag) =	ssettag $0x1  }
0x1: {  	v0 =	vimm.s32 $0xB80;
	vm10 =	vcmask $0x300  }
0x2: {  	v1 =	vimm.s32 $0x1B80;
	vm11 =	vcmask $0x704;
	vm12 =	vcmask $0xB08  }
0x3: {  	vm13 =	vcmask $0xF0C;
	vm14 =	vcmask $0x1310;
	vm9 =	vcmask $0x1714  }
0x4: {  	vm8 =	vcmask $0x1B18;
	vm7 =	vcmask $0x1F1C;
	vm6 =	vcmask $0x2320  }
0x5: {  	vm5 =	vcmask $0x2724;
	vm4 =	vcmask $0x2B28;
	vm3 =	vcmask $0x2F2C  }
0x6: {  	vm2 =	vcmask $0x3330;
	vm0 =	vcmask $0x3734;
	vm1 =	vcmask $0x3B38  }
0x7: {  	v2 =	vimm.s32 $0x2B80;
	v3 =	vimm.s32 $0x3B80;
	v4 =	vimm.s32 $0x4B80  }
0x8: {  	v5 =	vimm.s32 $0x5B80;
	v6 =	vimm.s32 $0x6B80;
	v7 =	vimm.s32 $0x7B80  }
0x9: {  	v0 =	vsel vm10, $0x0, v0;
	v1 =	vsel vm10, $0x1000, v1;
	v2 =	vsel vm10, $0x2000, v2  }
0xa: {  	v3 =	vsel vm10, $0x3000, v3;
	v4 =	vsel vm10, $0x4000, v4;
	v5 =	vsel vm10, $0x5000, v5  }
0xb: {  	v6 =	vsel vm10, $0x6000, v6;
	v7 =	vsel vm10, $0x7000, v7;
	v0 =	vsel vm11, $0x80, v0  }
0xc: {  	v1 =	vsel vm11, $0x1080, v1;
	v2 =	vsel vm11, $0x2080, v2;
	v3 =	vsel vm11, $0x3080, v3  }
0xd: {  	v4 =	vsel vm11, $0x4080, v4;
	v5 =	vsel vm11, $0x5080, v5;
	v6 =	vsel vm11, $0x6080, v6  }
0xe: {  	v7 =	vsel vm11, $0x7080, v7;
	v0 =	vsel vm12, $0x100, v0;
	v1 =	vsel vm12, $0x1100, v1  }
0xf: {  	v2 =	vsel vm12, $0x2100, v2;
	v3 =	vsel vm12, $0x3100, v3;
	v4 =	vsel vm12, $0x4100, v4  }
0x10: {  	v5 =	vsel vm12, $0x5100, v5;
	v6 =	vsel vm12, $0x6100, v6;
	v7 =	vsel vm12, $0x7100, v7  }
0x11: {  	v0 =	vsel vm13, $0x180, v0;
	v1 =	vsel vm13, $0x1180, v1;
	v2 =	vsel vm13, $0x2180, v2  }
0x12: {  	v3 =	vsel vm13, $0x3180, v3;
	v4 =	vsel vm13, $0x4180, v4;
	v5 =	vsel vm13, $0x5180, v5  }
0x13: {  	v6 =	vsel vm13, $0x6180, v6;
	v7 =	vsel vm13, $0x7180, v7;
	v0 =	vsel vm14, $0x200, v0  }
0x14: {  	v1 =	vsel vm14, $0x1200, v1;
	v2 =	vsel vm14, $0x2200, v2;
	v3 =	vsel vm14, $0x3200, v3  }
0x15: {  	v4 =	vsel vm14, $0x4200, v4;
	v5 =	vsel vm14, $0x5200, v5;
	v6 =	vsel vm14, $0x6200, v6  }
0x16: {  	v7 =	vsel vm14, $0x7200, v7;
	v0 =	vsel vm9, $0x280, v0;
	v1 =	vsel vm9, $0x1280, v1  }
0x17: {  	v2 =	vsel vm9, $0x2280, v2;
	v3 =	vsel vm9, $0x3280, v3;
	v4 =	vsel vm9, $0x4280, v4  }
0x18: {  	v5 =	vsel vm9, $0x5280, v5;
	v6 =	vsel vm9, $0x6280, v6;
	v7 =	vsel vm9, $0x7280, v7  }
0x19: {  	v0 =	vsel vm8, $0x300, v0;
	v1 =	vsel vm8, $0x1300, v1;
	v2 =	vsel vm8, $0x2300, v2  }
0x1a: {  	v3 =	vsel vm8, $0x3300, v3;
	v4 =	vsel vm8, $0x4300, v4;
	v5 =	vsel vm8, $0x5300, v5  }
0x1b: {  	v6 =	vsel vm8, $0x6300, v6;
	v7 =	vsel vm8, $0x7300, v7;
	v0 =	vsel vm7, $0x380, v0  }
0x1c: {  	v1 =	vsel vm7, $0x1380, v1;
	v2 =	vsel vm7, $0x2380, v2;
	v3 =	vsel vm7, $0x3380, v3  }
0x1d: {  	v4 =	vsel vm7, $0x4380, v4;
	v5 =	vsel vm7, $0x5380, v5;
	v6 =	vsel vm7, $0x6380, v6  }
0x1e: {  	v7 =	vsel vm7, $0x7380, v7;
	v0 =	vsel vm6, $0x800, v0;
	v1 =	vsel vm6, $0x1800, v1  }
0x1f: {  	v2 =	vsel vm6, $0x2800, v2;
	v3 =	vsel vm6, $0x3800, v3;
	v4 =	vsel vm6, $0x4800, v4  }
0x20: {  	v5 =	vsel vm6, $0x5800, v5;
	v6 =	vsel vm6, $0x6800, v6;
	v7 =	vsel vm6, $0x7800, v7  }
0x21: {  	v0 =	vsel vm5, $0x880, v0;
	v1 =	vsel vm5, $0x1880, v1;
	v2 =	vsel vm5, $0x2880, v2  }
0x22: {  	v3 =	vsel vm5, $0x3880, v3;
	v4 =	vsel vm5, $0x4880, v4;
	v5 =	vsel vm5, $0x5880, v5  }
0x23: {  	v6 =	vsel vm5, $0x6880, v6;
	v7 =	vsel vm5, $0x7880, v7;
	v0 =	vsel vm4, $0x900, v0  }
0x24: {  	v1 =	vsel vm4, $0x1900, v1;
	v2 =	vsel vm4, $0x2900, v2;
	v3 =	vsel vm4, $0x3900, v3  }
0x25: {  	v4 =	vsel vm4, $0x4900, v4;
	v5 =	vsel vm4, $0x5900, v5;
	v6 =	vsel vm4, $0x6900, v6  }
0x26: {  	v7 =	vsel vm4, $0x7900, v7;
	v0 =	vsel vm3, $0x980, v0;
	v1 =	vsel vm3, $0x1980, v1  }
0x27: {  	s3 =	rddreg [dreg:$0x0];
	v2 =	vsel vm3, $0x2980, v2;
	v3 =	vsel vm3, $0x3980, v3;
	v4 =	vsel vm3, $0x4980, v4  }
0x28: {  	s4 =	rddreg [dreg:$0x1];
	v5 =	vsel vm3, $0x5980, v5;
	v6 =	vsel vm3, $0x6980, v6;
	v7 =	vsel vm3, $0x7980, v7  }
0x29: {  	s0 =	rddreg [dreg:$0x2];
	v0 =	vsel vm2, $0xA00, v0;
	v1 =	vsel vm2, $0x1A00, v1;
	v2 =	vsel vm2, $0x2A00, v2  }
0x2a: {  	s5 =	srdreg.scid;
	s1 =	stileid.u32;
	v3 =	vsel vm2, $0x3A00, v3;
	v4 =	vsel vm2, $0x4A00, v4;
	v5 =	vsel vm2, $0x5A00, v5  }
0x2b: {  	s2 =	simm.s32 $0x0;
	s5 =	sand.u32 $0x1, s5;
	s6 =	sshll.u32 s1, $0x1;
	v6 =	vsel vm2, $0x6A00, v6;
	v7 =	vsel vm2, $0x7A00, v7;
	v0 =	vsel vm0, $0xA80, v0  }
0x2c: {  	[smem:$0x7FF] =	sst s2;
	s6 =	sor.u32 s5, s6;
	s5 =	ssub.s32 $0x2, s5;
	v1 =	vsel vm0, $0x1A80, v1;
	v2 =	vsel vm0, $0x2A80, v2;
	v3 =	vsel vm0, $0x3A80, v3  }
0x2d: {  	_ =	strace $0x80000047;
	s7 =	sshll.u32 s6, $0xC;
	s8 =	sshrl.u32 s5, $0x1;
	v4 =	vsel vm0, $0x4A80, v4;
	v5 =	vsel vm0, $0x5A80, v5;
	v6 =	vsel vm0, $0x6A80, v6  }
0x2e: {  	s6 =	smul.u32 $0xC80, s6;
	s3 =	sadd.s32 s7, s3;
	s5 =	ssub.s32 s5, s8;
	v7 =	vsel vm0, $0x7A80, v7;
	v0 =	vsel vm1, $0xB00, v0;
	v1 =	vsel vm1, $0x1B00, v1  }
0x2f: {  	s7 =	simm.s32 $0x1;
	s8 =	simm.s32 $0x0;
	s3 =	sadd.s32 $0x400, s3;
	v2 =	vsel vm1, $0x2B00, v2;
	v3 =	vsel vm1, $0x3B00, v3;
	v4 =	vsel vm1, $0x4B00, v4  }
0x30: {  	s4 =	sadd.s32 s4, s6;
	s5 =	smax.u32 s5, $0x1;
	s6 =	simm.s32 $0x8000;
	v5 =	vsel vm1, $0x5B00, v5;
	v6 =	vsel vm1, $0x6B00, v6;
	v7 =	vsel vm1, $0x7B00, v7  }
.LBB2_1:
0x31: {  	v11 =	vmov s7  }
0x32: {  	v13 =	vshll.u32 v11, $0x3  }
0x33: {  	v11 =	vand.u32 $0x7F, v11;
	v13 =	vand.u32 $0x400, v13  }
0x34: {  	v11 =	vor.u32 v11, v13  }
0x35: {  	v13 =	vor.u32 v0, v11  }
0x36: {  	[tilespmem:s2], [sflag:$0x1] =	stream.linear.gather [hbm4b:s3+s2], $0x8000, $0x38;
	v16 =	vor.u32 v1, v11;
	[tilespmem:$0xE400] =	vst v63  }
0x37: {  	_ =	swait.ge [sflag:s7], $0x8000;
	v17 =	vor.u32 v2, v11  }
0x38: {  	s9 =	simm.s32 $0x0;
	[sflag:s7] =	ssyncset.done $0x0;
	v18 =	vor.u32 v3, v11  }
0x39: {  	v8 =	vmov s9;
	[sflag:s7] =	ssyncadd.s32 $0xFFFF8000;
	v21 =	vor.u32 v4, v11  }
0x3a: {  	v9 =	vshll.u32 v8, $0x3;
	v22 =	vor.u32 v5, v11;
	v13 =	vld.idx.msk [tilespmem:v13+s2+$0x0], $0xffff  }
0x3b: {  	v8 =	vand.u32 $0x7E, v8;
	v9 =	vand.u32 $0x400, v9;
	v23 =	vor.u32 v6, v11;
	v16 =	vld.idx.msk [tilespmem:v16+s2+$0x0], $0xffff  }
0x3c: {  	v8 =	vor.u32 v8, v9;
	v11 =	vor.u32 v7, v11;
	v17 =	vld.idx.msk [tilespmem:v17+s2+$0x0], $0xffff  }
0x3d: {  	v9 =	vor.u32 v3, v8;
	v18 =	vld.idx.msk [tilespmem:v18+s2+$0x0], $0xffff  }
0x3e: {  	v10 =	vor.u32 v4, v8;
	v21 =	vld.idx.msk [tilespmem:v21+s2+$0x0], $0xffff  }
0x3f: {  	v19 =	vor.u32 v0, v8;
	v22 =	vld.idx.msk [tilespmem:v22+s2+$0x0], $0xffff  }
0x40: {  	v12 =	vor.u32 v5, v8;
	v20 =	vor.u32 v1, v8;
	v23 =	vld.idx.msk [tilespmem:v23+s2+$0x0], $0xffff  }
0x41: {  	v14 =	vor.u32 v6, v8;
	v15 =	vor.u32 v7, v8;
	v8 =	vor.u32 v2, v8;
	v11 =	vld.idx.msk [tilespmem:v11+s2+$0x0], $0xffff  }
0x42: {  	v9 =	vld.idx.msk [tilespmem:v9+s2+$0x0], $0xffff  }
0x43: {  	v10 =	vld.idx.msk [tilespmem:v10+s2+$0x0], $0xffff  }
0x44: {  	v19 =	vld.idx.msk [tilespmem:v19+s2+$0x0], $0xffff  }
0x45: {  	v20 =	vld.idx.msk [tilespmem:v20+s2+$0x0], $0xffff  }
0x46: {  	v8 =	vld.idx.msk [tilespmem:v8+s2+$0x0], $0xffff  }
0x47: {  	v12 =	vld.idx.msk [tilespmem:v12+s2+$0x0], $0xffff  }
0x48: {  	s9 =	simm.s32 $0x8040;
	v14 =	vld.idx.msk [tilespmem:v14+s2+$0x0], $0xffff  }
0x49: {  	v15 =	vld.idx.msk [tilespmem:v15+s2+$0x0], $0xffff;
	[tilespmem:s9+$0xFFFFFFC0] =	vst v19  }
0x4a: {  	[tilespmem:s9+$0xFFFFFFD0] =	vst v20  }
0x4b: {  	[tilespmem:s9+$0xFFFFFFE0] =	vst v8  }
0x4c: {  	[tilespmem:s9+$0xFFFFFFF0] =	vst v9  }
0x4d: {  	[tilespmem:s9+$0x0] =	vst v10  }
0x4e: {  	s10 =	simm.s32 $0x80;
	s11 =	simm.s32 $0x0;
	[tilespmem:s9+$0x10] =	vst v12  }
0x4f: {  	s12 =	simm.s32 $0x2;
	s11 =	sand.u32 $0x7C00, s11;
	s13 =	sand.u32 $0x380, s10;
	[tilespmem:s9+$0x20] =	vst v14  }
0x50: {  	s11 =	sor.u32 s13, s11;
	v8 =	vmov s12;
	[tilespmem:s9+$0x30] =	vst v15  }
0x51: {  	v9 =	vshll.u32 v8, $0x3;
	[tilespmem:s11+$0x8070] =	vst v11  }
0x52: {  	v8 =	vand.u32 $0x7E, v8;
	[tilespmem:s11+$0x8000] =	vst v13;
	v9 =	vand.u32 $0x400, v9  }
0x53: {  	[tilespmem:s11+$0x8010] =	vst v16;
	v10 =	vor.u32 v8, v9  }
0x54: {  	s31 =	simm.s32 $0x3;
	[tilespmem:s11+$0x8020] =	vst v17;
	v8 =	vor.u32 v3, v10  }
0x55: {  	v11 =	vmov s31;
	[tilespmem:s11+$0x8030] =	vst v18;
	v9 =	vor.u32 v4, v10  }
0x56: {  	[tilespmem:s11+$0x8040] =	vst v21;
	v13 =	vshll.u32 v11, $0x3;
	v12 =	vor.u32 v5, v10  }
0x57: {  	[tilespmem:s11+$0x8050] =	vst v22;
	v11 =	vand.u32 $0x7F, v11;
	v13 =	vand.u32 $0x400, v13;
	v17 =	vor.u32 v6, v10  }
0x58: {  	[tilespmem:s11+$0x8060] =	vst v23;
	v18 =	vor.u32 v7, v10;
	v16 =	vor.u32 v11, v13  }
0x59: {  	v21 =	vor.u32 v2, v16;
	v13 =	vld.idx.msk [tilespmem:v8+s2+$0x0], $0xffff  }
0x5a: {  	v8 =	vor.u32 v0, v16;
	v15 =	vld.idx.msk [tilespmem:v9+s2+$0x0], $0xffff  }
0x5b: {  	v9 =	vor.u32 v1, v16;
	v14 =	vld.idx.msk [tilespmem:v12+s2+$0x0], $0xffff  }
0x5c: {  	v20 =	vor.u32 v3, v16;
	v12 =	vld.idx.msk [tilespmem:v17+s2+$0x0], $0xffff  }
0x5d: {  	v11 =	vld.idx.msk [tilespmem:v18+s2+$0x0], $0xffff;
	v18 =	vor.u32 v0, v10  }
0x5e: {  	v19 =	vor.u32 v1, v10;
	v17 =	vor.u32 v2, v10;
	v10 =	vld.idx.msk [tilespmem:v21+s2+$0x0], $0xffff  }
0x5f: {  	v8 =	vld.idx.msk [tilespmem:v8+s2+$0x0], $0xffff  }
0x60: {  	s11 =	simm.s32 $0x5;
	v21 =	vor.u32 v4, v16;
	v9 =	vld.idx.msk [tilespmem:v9+s2+$0x0], $0xffff  }
.LBB2_2:
0x61: {  	p0 =	sne.s32 s11, $0xC7;
	v20 =	vld.idx.msk [tilespmem:v20+s2+$0x0], $0xffff;
	v22 =	vor.u32 v5, v16  }
0x62: {  	v23 =	vor.u32 v6, v16;
	v18 =	vld.idx.msk [tilespmem:v18+s2+$0x0], $0xffff  }
0x63: {  	v16 =	vor.u32 v7, v16;
	v19 =	vld.idx.msk [tilespmem:v19+s2+$0x0], $0xffff  }
0x64: {  	v17 =	vld.idx.msk [tilespmem:v17+s2+$0x0], $0xffff  }
0x65: {  	v21 =	vld.idx.msk [tilespmem:v21+s2+$0x0], $0xffff  }
0x66: {  	v22 =	vld.idx.msk [tilespmem:v22+s2+$0x0], $0xffff  }
0x67: {  	s9 =	sadd.s32 $0x100, s9;
	v23 =	vld.idx.msk [tilespmem:v23+s2+$0x0], $0xffff  }
0x68: {  	v16 =	vld.idx.msk [tilespmem:v16+s2+$0x0], $0xffff;
	[tilespmem:s9+$0xFFFFFFC0] =	vst v18  }
0x69: {  	[tilespmem:s9+$0xFFFFFFD0] =	vst v19  }
0x6a: {  	[tilespmem:s9+$0xFFFFFFE0] =	vst v17  }
0x6b: {  	[tilespmem:s9+$0xFFFFFFF0] =	vst v13  }
0x6c: {  	s10 =	sadd.s32 $0x100, s10;
	[tilespmem:s9+$0x0] =	vst v15  }
0x6d: {  	s12 =	sadd.s32 $0xFFFFFF80, s10;
	[tilespmem:s9+$0x10] =	vst v14  }
0x6e: {  	s13 =	sadd.s32 $0xFFFFFFFF, s11;
	s14 =	sand.u32 $0x380, s10;
	s12 =	sand.u32 $0x7C00, s12;
	[tilespmem:s9+$0x20] =	vst v12  }
0x6f: {  	s12 =	sor.u32 s14, s12;
	v12 =	vmov s13;
	[tilespmem:s9+$0x30] =	vst v11  }
0x70: {  	v11 =	vshll.u32 v12, $0x3;
	[tilespmem:s12+$0x8070] =	vst v16  }
0x71: {  	v12 =	vand.u32 $0x7E, v12;
	v11 =	vand.u32 $0x400, v11;
	[tilespmem:s12+$0x8000] =	vst v8  }
0x72: {  	v17 =	vor.u32 v12, v11;
	[tilespmem:s12+$0x8010] =	vst v9  }
0x73: {  	v8 =	vor.u32 v3, v17;
	[tilespmem:s12+$0x8020] =	vst v10  }
0x74: {  	v9 =	vor.u32 v4, v17;
	v10 =	vmov s11;
	[tilespmem:s12+$0x8030] =	vst v20  }
0x75: {  	v11 =	vor.u32 v5, v17;
	v12 =	vshll.u32 v10, $0x3;
	[tilespmem:s12+$0x8040] =	vst v21  }
0x76: {  	v18 =	vor.u32 v6, v17;
	v10 =	vand.u32 $0x7F, v10;
	v12 =	vand.u32 $0x400, v12;
	[tilespmem:s12+$0x8050] =	vst v22  }
0x77: {  	v19 =	vor.u32 v7, v17;
	v16 =	vor.u32 v10, v12;
	[tilespmem:s12+$0x8060] =	vst v23  }
0x78: {  	v13 =	vld.idx.msk [tilespmem:v8+s2+$0x0], $0xffff;
	v8 =	vor.u32 v0, v16  }
0x79: {  	v15 =	vld.idx.msk [tilespmem:v9+s2+$0x0], $0xffff;
	v9 =	vor.u32 v1, v16  }
0x7a: {  	v10 =	vor.u32 v2, v16;
	v14 =	vld.idx.msk [tilespmem:v11+s2+$0x0], $0xffff  }
.Ltmp0:
0x7b: {  	v20 =	vor.u32 v3, v16;
	v12 =	vld.idx.msk [tilespmem:v18+s2+$0x0], $0xffff;
	(pc) =	sbr.rel @p0 .LBB2_2-.Ltmp0, $4  }
0x7c: {  	v18 =	vor.u32 v0, v17;
	v11 =	vld.idx.msk [tilespmem:v19+s2+$0x0], $0xffff  }
0x7d: {  	v19 =	vor.u32 v1, v17;
	v8 =	vld.idx.msk [tilespmem:v8+s2+$0x0], $0xffff  }
0x7e: {  	v17 =	vor.u32 v2, v17;
	v9 =	vld.idx.msk [tilespmem:v9+s2+$0x0], $0xffff  }
0x7f: {  	s11 =	sadd.s32 $0x2, s11;
	v21 =	vor.u32 v4, v16;
	v10 =	vld.idx.msk [tilespmem:v10+s2+$0x0], $0xffff  }
0x80: {  	_ =	sdelay $0x3  }
0x81: {  	v20 =	vld.idx.msk [tilespmem:v20+s2+$0x0], $0xffff;
	v22 =	vor.u32 v5, v16  }
0x82: {  	v18 =	vld.idx.msk [tilespmem:v18+s2+$0x0], $0xffff;
	v23 =	vor.u32 v6, v16  }
0x83: {  	v19 =	vld.idx.msk [tilespmem:v19+s2+$0x0], $0xffff;
	v63 =	vor.u32 v7, v16  }
0x84: {  	v17 =	vld.idx.msk [tilespmem:v17+s2+$0x0], $0xffff  }
0x85: {  	v21 =	vld.idx.msk [tilespmem:v21+s2+$0x0], $0xffff  }
0x86: {  	v22 =	vld.idx.msk [tilespmem:v22+s2+$0x0], $0xffff  }
0x87: {  	s9 =	sadd.s32 $0x100, s9;
	v23 =	vld.idx.msk [tilespmem:v23+s2+$0x0], $0xffff  }
0x88: {  	v16 =	vld.idx.msk [tilespmem:v63+s2+$0x0], $0xffff;
	[tilespmem:s9+$0xFFFFFFC0] =	vst v18  }
0x89: {  	[tilespmem:s9+$0xFFFFFFD0] =	vst v19  }
0x8a: {  	[tilespmem:s9+$0xFFFFFFE0] =	vst v17  }
0x8b: {  	[tilespmem:s9+$0xFFFFFFF0] =	vst v13  }
0x8c: {  	s10 =	sadd.s32 $0x100, s10;
	[tilespmem:s9+$0x0] =	vst v15  }
0x8d: {  	s11 =	sadd.s32 $0xFFFFFF80, s10;
	[tilespmem:s9+$0x10] =	vst v14  }
0x8e: {  	s10 =	sand.u32 $0x380, s10;
	s11 =	sand.u32 $0x7C00, s11;
	[tilespmem:s9+$0x20] =	vst v12  }
0x8f: {  	s31 =	sor.u32 s10, s11;
	[tilespmem:s9+$0x30] =	vst v11  }
0x90: {  	[tilespmem:s31+$0x8000] =	vst v8  }
0x91: {  	[tilespmem:s31+$0x8010] =	vst v9  }
0x92: {  	[tilespmem:s31+$0x8020] =	vst v10  }
0x93: {  	[tilespmem:s31+$0x8030] =	vst v20  }
0x94: {  	[tilespmem:s31+$0x8040] =	vst v21  }
0x95: {  	s8 =	sadd.s32 $0x1, s8;
	[tilespmem:s31+$0x8070] =	vst v16  }
0x96: {  	p0 =	sne.s32 s8, s5;
	[tilespmem:s31+$0x8050] =	vst v22  }
.Ltmp1:
0x97: {  	[tilespmem:s31+$0x8060] =	vst v23;
	(pc) =	sbr.rel @p0 .LBB2_1-.Ltmp1, $4  }
0x98: {  	[hbm4b:s4+s2] =	stream.linear.scatter [tilespmem:s6], [sflag:$0x1], $0x6400, $0x38;
	[tilespmem:$0xE400] =	vst v63  }
0x99: {  	_ =	swait.ge [sflag:s7], $0x6400  }
0x9a: {  	[sflag:s7] =	ssyncset.done $0x0  }
0x9b: {  	[sflag:s7] =	ssyncadd.s32 $0xFFFF9C00  }
0x9c: {  	_ =	sfence.sel $0x180000  }
0x9d: {  	[bflag:$0x0] =	sbarrier.arrive $0xFFFF  }
0x9e: {  	p0 =	sne.s32 s1, $0x0;
	_ =	strace $0x90000047  }
0x9f: {  	s0 =	sadd.s32 @!p0 $0x100000, s0;
	[bflag:$0x2] =	sbarrier.arrive $0xFFFF  }
0xa0: {  	[sflag:s0] =	ssyncadd.tile.s32 @!p0 $0x1;
	_ =	shalt  }
.Lfunc_end2:
_tile_overlayer_lowered:
.L_overlay_start_2:
0xa1: {  	(tag) =	ssettag $0x2  }
0xa2: {  	s0 =	rddreg [dreg:$0x0];
	s2 =	stileid.u32  }
0xa3: {  	s1 =	rddreg [dreg:$0x1];
	p0 =	sne.s32 s2, $0x0  }
0xa4: {  	s3 =	rddreg [dreg:$0x2];
	[bflag:$0x3] =	sbarrier.arrive $0xFFFF;
	s2 =	simm.s32 @!p0 $0x1C01  }
0xa5: {  	[timem:s3], [sflag:s2] =	dma.local @!p0 [hbm:s0], s1  }
0xa6: {  	s0 =	simm.s32 @!p0 $0x1  }
0xa7: {  	_ =	swait.ge @!p0 [sflag:s0], s1  }
0xa8: {  	s1 =	ssub.s32 @!p0 $0x0, s1;
	[sflag:s0] =	ssyncset.done @!p0 $0x0  }
0xa9: {  	[sflag:s0] =	ssyncadd.s32 @!p0 s1  }
0xaa: {  	[bflag:$0x3] =	sbarrier.arrive $0xFFFF  }
0xab: {  	_ =	shalt  }

</sc_bundles>
